<compile_context>
chip_gen: v7x
topology: tpu7x:2x2x1
jax: 0.10.2.dev20260603
libtpu: 0.0.44.dev20260713+nightly
codegen_flags: <defaults>
</compile_context>

<pallas_src>
import functools

import jax
import jax.numpy as jnp
from jax import lax
from jax.experimental import pallas as pl
from jax.experimental.pallas import tpu as pltpu
from jax.experimental.pallas import tpu_sc as plsc

VOCAB = 1000000
EMB_DIM = 64
BATCH = 4096
HIST = 50

_B = BATCH * HIST
_NC = 2
_NS = 16
_NW = _NC * _NS
_BPW = _B // _NW
_NBUF = 4
_CH = 200
_NCHUNK = _BPW // _CH


def _gather_kernel(x_hbm, table_hbm, out_hbm, idx_v, bufs, sems):
    wid = lax.axis_index("s") * _NC + lax.axis_index("c")
    base = wid * _BPW
    pltpu.sync_copy(x_hbm.at[0, pl.ds(base, _BPW)], idx_v)

    def fire(c):
        s = c % _NBUF
        pltpu.async_copy(
            table_hbm.at[idx_v.at[pl.ds(c * _CH, _CH)]], bufs[s], sems[s])

    for c in range(_NBUF):
        fire(c)
    for c in range(_NCHUNK):
        s = c % _NBUF
        pltpu.make_async_copy(
            table_hbm.at[idx_v.at[pl.ds(c * _CH, _CH)]], bufs[s], sems[s]
        ).wait()
        pltpu.sync_copy(bufs[s], out_hbm.at[pl.ds(base + c * _CH, _CH)])
        if c + _NBUF < _NCHUNK:
            fire(c + _NBUF)


@jax.jit
def _embed(x_flat, tpad):
    mesh = plsc.VectorSubcoreMesh(core_axis_name="c", subcore_axis_name="s")
    f = functools.partial(
        pl.kernel,
        mesh=mesh,
        out_type=jax.ShapeDtypeStruct((_B, 2 * EMB_DIM), jnp.float32),
        scratch_types=[
            pltpu.VMEM((_BPW,), jnp.int32),
            [pltpu.VMEM((_CH, 2 * EMB_DIM), jnp.float32)
             for _ in range(_NBUF)],
            [pltpu.SemaphoreType.DMA for _ in range(_NBUF)],
        ],
        compiler_params=pltpu.CompilerParams(
            use_tc_tiling_on_sc=True, needs_layout_passes=False),
    )(_gather_kernel)
    return f(x_flat, tpad)


def kernel(x, table):
    tpad = jnp.pad(table, ((0, 0), (0, EMB_DIM)))
    out = _embed(x.reshape(1, _B), tpad)
    return out[:, :EMB_DIM].reshape(BATCH, HIST, EMB_DIM)

# --- scband reference (transcript-rebuilt; emitter-appended) ---
"""Pipeline reference for scband-embedding-7344394076700 (READ-ONLY COPY).

The authoritative reference and input builder live on the scoring server;
editing this copy changes nothing except your own understanding.
"""

import jax, jax.numpy as jnp
import numpy as np

VOCAB = 1000000
EMB_DIM = 64
BATCH = 4096
HIST = 50

def setup_inputs(seed: int = 0) -> dict:
    key = jax.random.key(seed)
    k_idx, k_tab = jax.random.split(key)
    x = jax.random.randint(k_idx, (BATCH, HIST), 0, VOCAB, dtype=jnp.int64 if jax.config.jax_enable_x64 else jnp.int32).astype(jnp.int32)
    table = jax.random.normal(k_tab, (VOCAB, EMB_DIM), dtype=jnp.float32)
    return {"x": x, "table": table}

def reference(x, table):
    # nn.Embedding forward: gather rows of the embedding table
    out = jnp.take(table, x, axis=0)
    return out

if __name__ == "__main__":
    import jax
    _d = setup_inputs()
    print(jax.jit(kernel)(*tuple(_d.values())))

</pallas_src>

<mosaic_0001>
#map = affine_map<(d0, d1) -> (0, 0)>
module attributes {stable_mosaic.version = 14 : i64} {
  func.func @_gather_kernel(%arg0: i32, %arg1: i32, %arg2: memref<1x204800xi32, #tpu.memory_space<hbm>>, %arg3: memref<1000000x128xf32, #tpu.memory_space<hbm>>, %arg4: memref<204800x128xf32, #tpu.memory_space<hbm>>, %arg5: memref<6400xi32, #tpu.memory_space<vmem>>, %arg6: memref<200x128xf32, #tpu.memory_space<vmem>>, %arg7: memref<200x128xf32, #tpu.memory_space<vmem>>, %arg8: memref<200x128xf32, #tpu.memory_space<vmem>>, %arg9: memref<200x128xf32, #tpu.memory_space<vmem>>, %arg10: memref<!tpu.dma_semaphore, #tpu.memory_space<semaphore_mem>>, %arg11: memref<!tpu.dma_semaphore, #tpu.memory_space<semaphore_mem>>, %arg12: memref<!tpu.dma_semaphore, #tpu.memory_space<semaphore_mem>>, %arg13: memref<!tpu.dma_semaphore, #tpu.memory_space<semaphore_mem>>) attributes {dimension_semantics = [#tpu.dimension_semantics<core_parallel>, #tpu.dimension_semantics<subcore_parallel>], iteration_bounds = array<i64: 2, 16>, scalar_prefetch = 0 : i64, scratch_operands = 9 : i64, tpu.core_type = #tpu.core_type<sc_vector_subcore>, window_params = [{transform_indices = #map}, {transform_indices = #map}, {transform_indices = #map}]} {
    %mul3A = arith.constant 2 : i32
    %mul3A_0 = arith.muli %arg1, %mul3A : i32
    %add3A = arith.addi %mul3A_0, %arg0 : i32
    %mul3A_1 = arith.constant 6400 : i32
    %mul3A_2 = arith.muli %add3A, %mul3A_1 : i32
    %run_scoped3A = arith.constant 0 : i32
    "tpu.region"() ({
      %run_scoped3A_385 = tpu.sem_alloc : memref<!tpu.dma_semaphore, #tpu.memory_space<semaphore_mem>>
      %dma_start3A_386 = tpu.memref_slice %arg2[%run_scoped3A, %mul3A_2] : memref<1x204800xi32, #tpu.memory_space<hbm>> -> memref<1x6400xi32, #tpu.memory_space<hbm>>
      %dma_start3A_387 = tpu.memref_squeeze %dma_start3A_386 : memref<1x6400xi32, #tpu.memory_space<hbm>> -> memref<6400xi32, #tpu.memory_space<hbm>>
      %dma_start3A_388 = tpu.memref_slice %arg2[%run_scoped3A, %mul3A_2] : memref<1x204800xi32, #tpu.memory_space<hbm>> -> memref<1x6400xi32, #tpu.memory_space<hbm>>
      %dma_start3A_389 = tpu.memref_squeeze %dma_start3A_388 : memref<1x6400xi32, #tpu.memory_space<hbm>> -> memref<6400xi32, #tpu.memory_space<hbm>>
      tpu.enqueue_dma source(%dma_start3A_389 : memref<6400xi32, #tpu.memory_space<hbm>>) target(%arg5 : memref<6400xi32, #tpu.memory_space<vmem>>) target_semaphore(%run_scoped3A_385 : memref<!tpu.dma_semaphore, #tpu.memory_space<semaphore_mem>>)
      %dma_wait3A_390 = tpu.memref_slice %arg2[%run_scoped3A, %mul3A_2] : memref<1x204800xi32, #tpu.memory_space<hbm>> -> memref<1x6400xi32, #tpu.memory_space<hbm>>
      %dma_wait3A_391 = tpu.memref_squeeze %dma_wait3A_390 : memref<1x6400xi32, #tpu.memory_space<hbm>> -> memref<6400xi32, #tpu.memory_space<hbm>>
      %dma_wait3A_392 = tpu.memref_slice %arg2[%run_scoped3A, %mul3A_2] : memref<1x204800xi32, #tpu.memory_space<hbm>> -> memref<1x6400xi32, #tpu.memory_space<hbm>>
      %dma_wait3A_393 = tpu.memref_squeeze %dma_wait3A_392 : memref<1x6400xi32, #tpu.memory_space<hbm>> -> memref<6400xi32, #tpu.memory_space<hbm>>
      tpu.wait_dma2 semaphore(%run_scoped3A_385 : memref<!tpu.dma_semaphore, #tpu.memory_space<semaphore_mem>>) src(%dma_wait3A_393 : memref<6400xi32, #tpu.memory_space<hbm>>) dst(%arg5 : memref<6400xi32, #tpu.memory_space<vmem>>)
      tpu.yield
    }) : () -> ()
    %dma_start3A = arith.constant 0 : i32
    %dma_start3A_3 = tpu.memref_slice %arg5[%dma_start3A] : memref<6400xi32, #tpu.memory_space<vmem>> -> memref<200xi32, #tpu.memory_space<vmem>>
    %dma_start3A_4 = arith.constant 0 : i32
    %dma_start3A_5 = arith.constant 0 : i32
    %dma_start3A_6 = tpu.memref_slice %arg3[%dma_start3A_4, %dma_start3A_5] : memref<1000000x128xf32, #tpu.memory_space<hbm>> -> memref<1000000x128xf32, #tpu.memory_space<hbm>>
    tpu.enqueue_indirect_dma source(%dma_start3A_6 : memref<1000000x128xf32, #tpu.memory_space<hbm>>) target(%arg6 : memref<200x128xf32, #tpu.memory_space<vmem>>) offsets(%dma_start3A_3 : memref<200xi32, #tpu.memory_space<vmem>>) semaphore(%arg10 : memref<!tpu.dma_semaphore, #tpu.memory_space<semaphore_mem>>)
    %dma_start3A_7 = arith.constant 200 : i32
    %dma_start3A_8 = tpu.memref_slice %arg5[%dma_start3A_7] : memref<6400xi32, #tpu.memory_space<vmem>> -> memref<200xi32, #tpu.memory_space<vmem>>
    %dma_start3A_9 = arith.constant 0 : i32
    %dma_start3A_10 = arith.constant 0 : i32
    %dma_start3A_11 = tpu.memref_slice %arg3[%dma_start3A_9, %dma_start3A_10] : memref<1000000x128xf32, #tpu.memory_space<hbm>> -> memref<1000000x128xf32, #tpu.memory_space<hbm>>
    tpu.enqueue_indirect_dma source(%dma_start3A_11 : memref<1000000x128xf32, #tpu.memory_space<hbm>>) target(%arg7 : memref<200x128xf32, #tpu.memory_space<vmem>>) offsets(%dma_start3A_8 : memref<200xi32, #tpu.memory_space<vmem>>) semaphore(%arg11 : memref<!tpu.dma_semaphore, #tpu.memory_space<semaphore_mem>>)
    %dma_start3A_12 = arith.constant 400 : i32
    %dma_start3A_13 = tpu.memref_slice %arg5[%dma_start3A_12] : memref<6400xi32, #tpu.memory_space<vmem>> -> memref<200xi32, #tpu.memory_space<vmem>>
    %dma_start3A_14 = arith.constant 0 : i32
    %dma_start3A_15 = arith.constant 0 : i32
    %dma_start3A_16 = tpu.memref_slice %arg3[%dma_start3A_14, %dma_start3A_15] : memref<1000000x128xf32, #tpu.memory_space<hbm>> -> memref<1000000x128xf32, #tpu.memory_space<hbm>>
    tpu.enqueue_indirect_dma source(%dma_start3A_16 : memref<1000000x128xf32, #tpu.memory_space<hbm>>) target(%arg8 : memref<200x128xf32, #tpu.memory_space<vmem>>) offsets(%dma_start3A_13 : memref<200xi32, #tpu.memory_space<vmem>>) semaphore(%arg12 : memref<!tpu.dma_semaphore, #tpu.memory_space<semaphore_mem>>)
    %dma_start3A_17 = arith.constant 600 : i32
    %dma_start3A_18 = tpu.memref_slice %arg5[%dma_start3A_17] : memref<6400xi32, #tpu.memory_space<vmem>> -> memref<200xi32, #tpu.memory_space<vmem>>
    %dma_start3A_19 = arith.constant 0 : i32
    %dma_start3A_20 = arith.constant 0 : i32
    %dma_start3A_21 = tpu.memref_slice %arg3[%dma_start3A_19, %dma_start3A_20] : memref<1000000x128xf32, #tpu.memory_space<hbm>> -> memref<1000000x128xf32, #tpu.memory_space<hbm>>
    tpu.enqueue_indirect_dma source(%dma_start3A_21 : memref<1000000x128xf32, #tpu.memory_space<hbm>>) target(%arg9 : memref<200x128xf32, #tpu.memory_space<vmem>>) offsets(%dma_start3A_18 : memref<200xi32, #tpu.memory_space<vmem>>) semaphore(%arg13 : memref<!tpu.dma_semaphore, #tpu.memory_space<semaphore_mem>>)
    %dma_wait3A = arith.constant 0 : i32
    %dma_wait3A_22 = tpu.memref_slice %arg5[%dma_wait3A] : memref<6400xi32, #tpu.memory_space<vmem>> -> memref<200xi32, #tpu.memory_space<vmem>>
    %dma_wait3A_23 = arith.constant 0 : i32
    %dma_wait3A_24 = arith.constant 0 : i32
    %dma_wait3A_25 = tpu.memref_slice %arg3[%dma_wait3A_23, %dma_wait3A_24] : memref<1000000x128xf32, #tpu.memory_space<hbm>> -> memref<1000000x128xf32, #tpu.memory_space<hbm>>
    tpu.wait_indirect_dma semaphore(%arg10 : memref<!tpu.dma_semaphore, #tpu.memory_space<semaphore_mem>>) src(%dma_wait3A_25 : memref<1000000x128xf32, #tpu.memory_space<hbm>>) dst(%arg6 : memref<200x128xf32, #tpu.memory_space<vmem>>)
    %add3A_26 = arith.constant 0 : i32
    %add3A_27 = arith.addi %mul3A_2, %add3A_26 : i32
    "tpu.region"() ({
      %run_scoped3A_385 = tpu.sem_alloc : memref<!tpu.dma_semaphore, #tpu.memory_space<semaphore_mem>>
      %dma_start3A_386 = arith.constant 0 : i32
      %dma_start3A_387 = tpu.memref_slice %arg4[%add3A_27, %dma_start3A_386] : memref<204800x128xf32, #tpu.memory_space<hbm>> -> memref<200x128xf32, #tpu.memory_space<hbm>>
      %dma_start3A_388 = arith.constant 0 : i32
      %dma_start3A_389 = tpu.memref_slice %arg4[%add3A_27, %dma_start3A_388] : memref<204800x128xf32, #tpu.memory_space<hbm>> -> memref<200x128xf32, #tpu.memory_space<hbm>>
      tpu.enqueue_dma source(%arg6 : memref<200x128xf32, #tpu.memory_space<vmem>>) target(%dma_start3A_389 : memref<200x128xf32, #tpu.memory_space<hbm>>) target_semaphore(%run_scoped3A_385 : memref<!tpu.dma_semaphore, #tpu.memory_space<semaphore_mem>>)
      %dma_wait3A_390 = arith.constant 0 : i32
      %dma_wait3A_391 = tpu.memref_slice %arg4[%add3A_27, %dma_wait3A_390] : memref<204800x128xf32, #tpu.memory_space<hbm>> -> memref<200x128xf32, #tpu.memory_space<hbm>>
      %dma_wait3A_392 = arith.constant 0 : i32
      %dma_wait3A_393 = tpu.memref_slice %arg4[%add3A_27, %dma_wait3A_392] : memref<204800x128xf32, #tpu.memory_space<hbm>> -> memref<200x128xf32, #tpu.memory_space<hbm>>
      tpu.wait_dma2 semaphore(%run_scoped3A_385 : memref<!tpu.dma_semaphore, #tpu.memory_space<semaphore_mem>>) src(%arg6 : memref<200x128xf32, #tpu.memory_space<vmem>>) dst(%dma_wait3A_393 : memref<200x128xf32, #tpu.memory_space<hbm>>)
      tpu.yield
    }) : () -> ()
    %dma_start3A_28 = arith.constant 800 : i32
    %dma_start3A_29 = tpu.memref_slice %arg5[%dma_start3A_28] : memref<6400xi32, #tpu.memory_space<vmem>> -> memref<200xi32, #tpu.memory_space<vmem>>
    %dma_start3A_30 = arith.constant 0 : i32
    %dma_start3A_31 = arith.constant 0 : i32
    %dma_start3A_32 = tpu.memref_slice %arg3[%dma_start3A_30, %dma_start3A_31] : memref<1000000x128xf32, #tpu.memory_space<hbm>> -> memref<1000000x128xf32, #tpu.memory_space<hbm>>
    tpu.enqueue_indirect_dma source(%dma_start3A_32 : memref<1000000x128xf32, #tpu.memory_space<hbm>>) target(%arg6 : memref<200x128xf32, #tpu.memory_space<vmem>>) offsets(%dma_start3A_29 : memref<200xi32, #tpu.memory_space<vmem>>) semaphore(%arg10 : memref<!tpu.dma_semaphore, #tpu.memory_space<semaphore_mem>>)
    %dma_wait3A_33 = arith.constant 200 : i32
    %dma_wait3A_34 = tpu.memref_slice %arg5[%dma_wait3A_33] : memref<6400xi32, #tpu.memory_space<vmem>> -> memref<200xi32, #tpu.memory_space<vmem>>
    %dma_wait3A_35 = arith.constant 0 : i32
    %dma_wait3A_36 = arith.constant 0 : i32
    %dma_wait3A_37 = tpu.memref_slice %arg3[%dma_wait3A_35, %dma_wait3A_36] : memref<1000000x128xf32, #tpu.memory_space<hbm>> -> memref<1000000x128xf32, #tpu.memory_space<hbm>>
    tpu.wait_indirect_dma semaphore(%arg11 : memref<!tpu.dma_semaphore, #tpu.memory_space<semaphore_mem>>) src(%dma_wait3A_37 : memref<1000000x128xf32, #tpu.memory_space<hbm>>) dst(%arg7 : memref<200x128xf32, #tpu.memory_space<vmem>>)
    %add3A_38 = arith.constant 200 : i32
    %add3A_39 = arith.addi %mul3A_2, %add3A_38 : i32
    "tpu.region"() ({
      %run_scoped3A_385 = tpu.sem_alloc : memref<!tpu.dma_semaphore, #tpu.memory_space<semaphore_mem>>
      %dma_start3A_386 = arith.constant 0 : i32
      %dma_start3A_387 = tpu.memref_slice %arg4[%add3A_39, %dma_start3A_386] : memref<204800x128xf32, #tpu.memory_space<hbm>> -> memref<200x128xf32, #tpu.memory_space<hbm>>
      %dma_start3A_388 = arith.constant 0 : i32
      %dma_start3A_389 = tpu.memref_slice %arg4[%add3A_39, %dma_start3A_388] : memref<204800x128xf32, #tpu.memory_space<hbm>> -> memref<200x128xf32, #tpu.memory_space<hbm>>
      tpu.enqueue_dma source(%arg7 : memref<200x128xf32, #tpu.memory_space<vmem>>) target(%dma_start3A_389 : memref<200x128xf32, #tpu.memory_space<hbm>>) target_semaphore(%run_scoped3A_385 : memref<!tpu.dma_semaphore, #tpu.memory_space<semaphore_mem>>)
      %dma_wait3A_390 = arith.constant 0 : i32
      %dma_wait3A_391 = tpu.memref_slice %arg4[%add3A_39, %dma_wait3A_390] : memref<204800x128xf32, #tpu.memory_space<hbm>> -> memref<200x128xf32, #tpu.memory_space<hbm>>
      %dma_wait3A_392 = arith.constant 0 : i32
      %dma_wait3A_393 = tpu.memref_slice %arg4[%add3A_39, %dma_wait3A_392] : memref<204800x128xf32, #tpu.memory_space<hbm>> -> memref<200x128xf32, #tpu.memory_space<hbm>>
      tpu.wait_dma2 semaphore(%run_scoped3A_385 : memref<!tpu.dma_semaphore, #tpu.memory_space<semaphore_mem>>) src(%arg7 : memref<200x128xf32, #tpu.memory_space<vmem>>) dst(%dma_wait3A_393 : memref<200x128xf32, #tpu.memory_space<hbm>>)
      tpu.yield
    }) : () -> ()
    %dma_start3A_40 = arith.constant 1000 : i32
    %dma_start3A_41 = tpu.memref_slice %arg5[%dma_start3A_40] : memref<6400xi32, #tpu.memory_space<vmem>> -> memref<200xi32, #tpu.memory_space<vmem>>
    %dma_start3A_42 = arith.constant 0 : i32
    %dma_start3A_43 = arith.constant 0 : i32
    %dma_start3A_44 = tpu.memref_slice %arg3[%dma_start3A_42, %dma_start3A_43] : memref<1000000x128xf32, #tpu.memory_space<hbm>> -> memref<1000000x128xf32, #tpu.memory_space<hbm>>
    tpu.enqueue_indirect_dma source(%dma_start3A_44 : memref<1000000x128xf32, #tpu.memory_space<hbm>>) target(%arg7 : memref<200x128xf32, #tpu.memory_space<vmem>>) offsets(%dma_start3A_41 : memref<200xi32, #tpu.memory_space<vmem>>) semaphore(%arg11 : memref<!tpu.dma_semaphore, #tpu.memory_space<semaphore_mem>>)
    %dma_wait3A_45 = arith.constant 400 : i32
    %dma_wait3A_46 = tpu.memref_slice %arg5[%dma_wait3A_45] : memref<6400xi32, #tpu.memory_space<vmem>> -> memref<200xi32, #tpu.memory_space<vmem>>
    %dma_wait3A_47 = arith.constant 0 : i32
    %dma_wait3A_48 = arith.constant 0 : i32
    %dma_wait3A_49 = tpu.memref_slice %arg3[%dma_wait3A_47, %dma_wait3A_48] : memref<1000000x128xf32, #tpu.memory_space<hbm>> -> memref<1000000x128xf32, #tpu.memory_space<hbm>>
    tpu.wait_indirect_dma semaphore(%arg12 : memref<!tpu.dma_semaphore, #tpu.memory_space<semaphore_mem>>) src(%dma_wait3A_49 : memref<1000000x128xf32, #tpu.memory_space<hbm>>) dst(%arg8 : memref<200x128xf32, #tpu.memory_space<vmem>>)
    %add3A_50 = arith.constant 400 : i32
    %add3A_51 = arith.addi %mul3A_2, %add3A_50 : i32
    "tpu.region"() ({
      %run_scoped3A_385 = tpu.sem_alloc : memref<!tpu.dma_semaphore, #tpu.memory_space<semaphore_mem>>
      %dma_start3A_386 = arith.constant 0 : i32
      %dma_start3A_387 = tpu.memref_slice %arg4[%add3A_51, %dma_start3A_386] : memref<204800x128xf32, #tpu.memory_space<hbm>> -> memref<200x128xf32, #tpu.memory_space<hbm>>
      %dma_start3A_388 = arith.constant 0 : i32
      %dma_start3A_389 = tpu.memref_slice %arg4[%add3A_51, %dma_start3A_388] : memref<204800x128xf32, #tpu.memory_space<hbm>> -> memref<200x128xf32, #tpu.memory_space<hbm>>
      tpu.enqueue_dma source(%arg8 : memref<200x128xf32, #tpu.memory_space<vmem>>) target(%dma_start3A_389 : memref<200x128xf32, #tpu.memory_space<hbm>>) target_semaphore(%run_scoped3A_385 : memref<!tpu.dma_semaphore, #tpu.memory_space<semaphore_mem>>)
      %dma_wait3A_390 = arith.constant 0 : i32
      %dma_wait3A_391 = tpu.memref_slice %arg4[%add3A_51, %dma_wait3A_390] : memref<204800x128xf32, #tpu.memory_space<hbm>> -> memref<200x128xf32, #tpu.memory_space<hbm>>
      %dma_wait3A_392 = arith.constant 0 : i32
      %dma_wait3A_393 = tpu.memref_slice %arg4[%add3A_51, %dma_wait3A_392] : memref<204800x128xf32, #tpu.memory_space<hbm>> -> memref<200x128xf32, #tpu.memory_space<hbm>>
      tpu.wait_dma2 semaphore(%run_scoped3A_385 : memref<!tpu.dma_semaphore, #tpu.memory_space<semaphore_mem>>) src(%arg8 : memref<200x128xf32, #tpu.memory_space<vmem>>) dst(%dma_wait3A_393 : memref<200x128xf32, #tpu.memory_space<hbm>>)
      tpu.yield
    }) : () -> ()
    %dma_start3A_52 = arith.constant 1200 : i32
    %dma_start3A_53 = tpu.memref_slice %arg5[%dma_start3A_52] : memref<6400xi32, #tpu.memory_space<vmem>> -> memref<200xi32, #tpu.memory_space<vmem>>
    %dma_start3A_54 = arith.constant 0 : i32
    %dma_start3A_55 = arith.constant 0 : i32
    %dma_start3A_56 = tpu.memref_slice %arg3[%dma_start3A_54, %dma_start3A_55] : memref<1000000x128xf32, #tpu.memory_space<hbm>> -> memref<1000000x128xf32, #tpu.memory_space<hbm>>
    tpu.enqueue_indirect_dma source(%dma_start3A_56 : memref<1000000x128xf32, #tpu.memory_space<hbm>>) target(%arg8 : memref<200x128xf32, #tpu.memory_space<vmem>>) offsets(%dma_start3A_53 : memref<200xi32, #tpu.memory_space<vmem>>) semaphore(%arg12 : memref<!tpu.dma_semaphore, #tpu.memory_space<semaphore_mem>>)
    %dma_wait3A_57 = arith.constant 600 : i32
    %dma_wait3A_58 = tpu.memref_slice %arg5[%dma_wait3A_57] : memref<6400xi32, #tpu.memory_space<vmem>> -> memref<200xi32, #tpu.memory_space<vmem>>
    %dma_wait3A_59 = arith.constant 0 : i32
    %dma_wait3A_60 = arith.constant 0 : i32
    %dma_wait3A_61 = tpu.memref_slice %arg3[%dma_wait3A_59, %dma_wait3A_60] : memref<1000000x128xf32, #tpu.memory_space<hbm>> -> memref<1000000x128xf32, #tpu.memory_space<hbm>>
    tpu.wait_indirect_dma semaphore(%arg13 : memref<!tpu.dma_semaphore, #tpu.memory_space<semaphore_mem>>) src(%dma_wait3A_61 : memref<1000000x128xf32, #tpu.memory_space<hbm>>) dst(%arg9 : memref<200x128xf32, #tpu.memory_space<vmem>>)
    %add3A_62 = arith.constant 600 : i32
    %add3A_63 = arith.addi %mul3A_2, %add3A_62 : i32
    "tpu.region"() ({
      %run_scoped3A_385 = tpu.sem_alloc : memref<!tpu.dma_semaphore, #tpu.memory_space<semaphore_mem>>
      %dma_start3A_386 = arith.constant 0 : i32
      %dma_start3A_387 = tpu.memref_slice %arg4[%add3A_63, %dma_start3A_386] : memref<204800x128xf32, #tpu.memory_space<hbm>> -> memref<200x128xf32, #tpu.memory_space<hbm>>
      %dma_start3A_388 = arith.constant 0 : i32
      %dma_start3A_389 = tpu.memref_slice %arg4[%add3A_63, %dma_start3A_388] : memref<204800x128xf32, #tpu.memory_space<hbm>> -> memref<200x128xf32, #tpu.memory_space<hbm>>
      tpu.enqueue_dma source(%arg9 : memref<200x128xf32, #tpu.memory_space<vmem>>) target(%dma_start3A_389 : memref<200x128xf32, #tpu.memory_space<hbm>>) target_semaphore(%run_scoped3A_385 : memref<!tpu.dma_semaphore, #tpu.memory_space<semaphore_mem>>)
      %dma_wait3A_390 = arith.constant 0 : i32
      %dma_wait3A_391 = tpu.memref_slice %arg4[%add3A_63, %dma_wait3A_390] : memref<204800x128xf32, #tpu.memory_space<hbm>> -> memref<200x128xf32, #tpu.memory_space<hbm>>
      %dma_wait3A_392 = arith.constant 0 : i32
      %dma_wait3A_393 = tpu.memref_slice %arg4[%add3A_63, %dma_wait3A_392] : memref<204800x128xf32, #tpu.memory_space<hbm>> -> memref<200x128xf32, #tpu.memory_space<hbm>>
      tpu.wait_dma2 semaphore(%run_scoped3A_385 : memref<!tpu.dma_semaphore, #tpu.memory_space<semaphore_mem>>) src(%arg9 : memref<200x128xf32, #tpu.memory_space<vmem>>) dst(%dma_wait3A_393 : memref<200x128xf32, #tpu.memory_space<hbm>>)
      tpu.yield
    }) : () -> ()
    %dma_start3A_64 = arith.constant 1400 : i32
    %dma_start3A_65 = tpu.memref_slice %arg5[%dma_start3A_64] : memref<6400xi32, #tpu.memory_space<vmem>> -> memref<200xi32, #tpu.memory_space<vmem>>
    %dma_start3A_66 = arith.constant 0 : i32
    %dma_start3A_67 = arith.constant 0 : i32
    %dma_start3A_68 = tpu.memref_slice %arg3[%dma_start3A_66, %dma_start3A_67] : memref<1000000x128xf32, #tpu.memory_space<hbm>> -> memref<1000000x128xf32, #tpu.memory_space<hbm>>
    tpu.enqueue_indirect_dma source(%dma_start3A_68 : memref<1000000x128xf32, #tpu.memory_space<hbm>>) target(%arg9 : memref<200x128xf32, #tpu.memory_space<vmem>>) offsets(%dma_start3A_65 : memref<200xi32, #tpu.memory_space<vmem>>) semaphore(%arg13 : memref<!tpu.dma_semaphore, #tpu.memory_space<semaphore_mem>>)
    %dma_wait3A_69 = arith.constant 800 : i32
    %dma_wait3A_70 = tpu.memref_slice %arg5[%dma_wait3A_69] : memref<6400xi32, #tpu.memory_space<vmem>> -> memref<200xi32, #tpu.memory_space<vmem>>
    %dma_wait3A_71 = arith.constant 0 : i32
    %dma_wait3A_72 = arith.constant 0 : i32
    %dma_wait3A_73 = tpu.memref_slice %arg3[%dma_wait3A_71, %dma_wait3A_72] : memref<1000000x128xf32, #tpu.memory_space<hbm>> -> memref<1000000x128xf32, #tpu.memory_space<hbm>>
    tpu.wait_indirect_dma semaphore(%arg10 : memref<!tpu.dma_semaphore, #tpu.memory_space<semaphore_mem>>) src(%dma_wait3A_73 : memref<1000000x128xf32, #tpu.memory_space<hbm>>) dst(%arg6 : memref<200x128xf32, #tpu.memory_space<vmem>>)
    %add3A_74 = arith.constant 800 : i32
    %add3A_75 = arith.addi %mul3A_2, %add3A_74 : i32
    "tpu.region"() ({
      %run_scoped3A_385 = tpu.sem_alloc : memref<!tpu.dma_semaphore, #tpu.memory_space<semaphore_mem>>
      %dma_start3A_386 = arith.constant 0 : i32
      %dma_start3A_387 = tpu.memref_slice %arg4[%add3A_75, %dma_start3A_386] : memref<204800x128xf32, #tpu.memory_space<hbm>> -> memref<200x128xf32, #tpu.memory_space<hbm>>
      %dma_start3A_388 = arith.constant 0 : i32
      %dma_start3A_389 = tpu.memref_slice %arg4[%add3A_75, %dma_start3A_388] : memref<204800x128xf32, #tpu.memory_space<hbm>> -> memref<200x128xf32, #tpu.memory_space<hbm>>
      tpu.enqueue_dma source(%arg6 : memref<200x128xf32, #tpu.memory_space<vmem>>) target(%dma_start3A_389 : memref<200x128xf32, #tpu.memory_space<hbm>>) target_semaphore(%run_scoped3A_385 : memref<!tpu.dma_semaphore, #tpu.memory_space<semaphore_mem>>)
      %dma_wait3A_390 = arith.constant 0 : i32
      %dma_wait3A_391 = tpu.memref_slice %arg4[%add3A_75, %dma_wait3A_390] : memref<204800x128xf32, #tpu.memory_space<hbm>> -> memref<200x128xf32, #tpu.memory_space<hbm>>
      %dma_wait3A_392 = arith.constant 0 : i32
      %dma_wait3A_393 = tpu.memref_slice %arg4[%add3A_75, %dma_wait3A_392] : memref<204800x128xf32, #tpu.memory_space<hbm>> -> memref<200x128xf32, #tpu.memory_space<hbm>>
      tpu.wait_dma2 semaphore(%run_scoped3A_385 : memref<!tpu.dma_semaphore, #tpu.memory_space<semaphore_mem>>) src(%arg6 : memref<200x128xf32, #tpu.memory_space<vmem>>) dst(%dma_wait3A_393 : memref<200x128xf32, #tpu.memory_space<hbm>>)
      tpu.yield
    }) : () -> ()
    %dma_start3A_76 = arith.constant 1600 : i32
    %dma_start3A_77 = tpu.memref_slice %arg5[%dma_start3A_76] : memref<6400xi32, #tpu.memory_space<vmem>> -> memref<200xi32, #tpu.memory_space<vmem>>
    %dma_start3A_78 = arith.constant 0 : i32
    %dma_start3A_79 = arith.constant 0 : i32
    %dma_start3A_80 = tpu.memref_slice %arg3[%dma_start3A_78, %dma_start3A_79] : memref<1000000x128xf32, #tpu.memory_space<hbm>> -> memref<1000000x128xf32, #tpu.memory_space<hbm>>
    tpu.enqueue_indirect_dma source(%dma_start3A_80 : memref<1000000x128xf32, #tpu.memory_space<hbm>>) target(%arg6 : memref<200x128xf32, #tpu.memory_space<vmem>>) offsets(%dma_start3A_77 : memref<200xi32, #tpu.memory_space<vmem>>) semaphore(%arg10 : memref<!tpu.dma_semaphore, #tpu.memory_space<semaphore_mem>>)
    %dma_wait3A_81 = arith.constant 1000 : i32
    %dma_wait3A_82 = tpu.memref_slice %arg5[%dma_wait3A_81] : memref<6400xi32, #tpu.memory_space<vmem>> -> memref<200xi32, #tpu.memory_space<vmem>>
    %dma_wait3A_83 = arith.constant 0 : i32
    %dma_wait3A_84 = arith.constant 0 : i32
    %dma_wait3A_85 = tpu.memref_slice %arg3[%dma_wait3A_83, %dma_wait3A_84] : memref<1000000x128xf32, #tpu.memory_space<hbm>> -> memref<1000000x128xf32, #tpu.memory_space<hbm>>
    tpu.wait_indirect_dma semaphore(%arg11 : memref<!tpu.dma_semaphore, #tpu.memory_space<semaphore_mem>>) src(%dma_wait3A_85 : memref<1000000x128xf32, #tpu.memory_space<hbm>>) dst(%arg7 : memref<200x128xf32, #tpu.memory_space<vmem>>)
    %add3A_86 = arith.constant 1000 : i32
    %add3A_87 = arith.addi %mul3A_2, %add3A_86 : i32
    "tpu.region"() ({
      %run_scoped3A_385 = tpu.sem_alloc : memref<!tpu.dma_semaphore, #tpu.memory_space<semaphore_mem>>
      %dma_start3A_386 = arith.constant 0 : i32
      %dma_start3A_387 = tpu.memref_slice %arg4[%add3A_87, %dma_start3A_386] : memref<204800x128xf32, #tpu.memory_space<hbm>> -> memref<200x128xf32, #tpu.memory_space<hbm>>
      %dma_start3A_388 = arith.constant 0 : i32
      %dma_start3A_389 = tpu.memref_slice %arg4[%add3A_87, %dma_start3A_388] : memref<204800x128xf32, #tpu.memory_space<hbm>> -> memref<200x128xf32, #tpu.memory_space<hbm>>
      tpu.enqueue_dma source(%arg7 : memref<200x128xf32, #tpu.memory_space<vmem>>) target(%dma_start3A_389 : memref<200x128xf32, #tpu.memory_space<hbm>>) target_semaphore(%run_scoped3A_385 : memref<!tpu.dma_semaphore, #tpu.memory_space<semaphore_mem>>)
      %dma_wait3A_390 = arith.constant 0 : i32
      %dma_wait3A_391 = tpu.memref_slice %arg4[%add3A_87, %dma_wait3A_390] : memref<204800x128xf32, #tpu.memory_space<hbm>> -> memref<200x128xf32, #tpu.memory_space<hbm>>
      %dma_wait3A_392 = arith.constant 0 : i32
      %dma_wait3A_393 = tpu.memref_slice %arg4[%add3A_87, %dma_wait3A_392] : memref<204800x128xf32, #tpu.memory_space<hbm>> -> memref<200x128xf32, #tpu.memory_space<hbm>>
      tpu.wait_dma2 semaphore(%run_scoped3A_385 : memref<!tpu.dma_semaphore, #tpu.memory_space<semaphore_mem>>) src(%arg7 : memref<200x128xf32, #tpu.memory_space<vmem>>) dst(%dma_wait3A_393 : memref<200x128xf32, #tpu.memory_space<hbm>>)
      tpu.yield
    }) : () -> ()
    %dma_start3A_88 = arith.constant 1800 : i32
    %dma_start3A_89 = tpu.memref_slice %arg5[%dma_start3A_88] : memref<6400xi32, #tpu.memory_space<vmem>> -> memref<200xi32, #tpu.memory_space<vmem>>
    %dma_start3A_90 = arith.constant 0 : i32
    %dma_start3A_91 = arith.constant 0 : i32
    %dma_start3A_92 = tpu.memref_slice %arg3[%dma_start3A_90, %dma_start3A_91] : memref<1000000x128xf32, #tpu.memory_space<hbm>> -> memref<1000000x128xf32, #tpu.memory_space<hbm>>
    tpu.enqueue_indirect_dma source(%dma_start3A_92 : memref<1000000x128xf32, #tpu.memory_space<hbm>>) target(%arg7 : memref<200x128xf32, #tpu.memory_space<vmem>>) offsets(%dma_start3A_89 : memref<200xi32, #tpu.memory_space<vmem>>) semaphore(%arg11 : memref<!tpu.dma_semaphore, #tpu.memory_space<semaphore_mem>>)
    %dma_wait3A_93 = arith.constant 1200 : i32
    %dma_wait3A_94 = tpu.memref_slice %arg5[%dma_wait3A_93] : memref<6400xi32, #tpu.memory_space<vmem>> -> memref<200xi32, #tpu.memory_space<vmem>>
    %dma_wait3A_95 = arith.constant 0 : i32
    %dma_wait3A_96 = arith.constant 0 : i32
    %dma_wait3A_97 = tpu.memref_slice %arg3[%dma_wait3A_95, %dma_wait3A_96] : memref<1000000x128xf32, #tpu.memory_space<hbm>> -> memref<1000000x128xf32, #tpu.memory_space<hbm>>
    tpu.wait_indirect_dma semaphore(%arg12 : memref<!tpu.dma_semaphore, #tpu.memory_space<semaphore_mem>>) src(%dma_wait3A_97 : memref<1000000x128xf32, #tpu.memory_space<hbm>>) dst(%arg8 : memref<200x128xf32, #tpu.memory_space<vmem>>)
    %add3A_98 = arith.constant 1200 : i32
    %add3A_99 = arith.addi %mul3A_2, %add3A_98 : i32
    "tpu.region"() ({
      %run_scoped3A_385 = tpu.sem_alloc : memref<!tpu.dma_semaphore, #tpu.memory_space<semaphore_mem>>
      %dma_start3A_386 = arith.constant 0 : i32
      %dma_start3A_387 = tpu.memref_slice %arg4[%add3A_99, %dma_start3A_386] : memref<204800x128xf32, #tpu.memory_space<hbm>> -> memref<200x128xf32, #tpu.memory_space<hbm>>
      %dma_start3A_388 = arith.constant 0 : i32
      %dma_start3A_389 = tpu.memref_slice %arg4[%add3A_99, %dma_start3A_388] : memref<204800x128xf32, #tpu.memory_space<hbm>> -> memref<200x128xf32, #tpu.memory_space<hbm>>
      tpu.enqueue_dma source(%arg8 : memref<200x128xf32, #tpu.memory_space<vmem>>) target(%dma_start3A_389 : memref<200x128xf32, #tpu.memory_space<hbm>>) target_semaphore(%run_scoped3A_385 : memref<!tpu.dma_semaphore, #tpu.memory_space<semaphore_mem>>)
      %dma_wait3A_390 = arith.constant 0 : i32
      %dma_wait3A_391 = tpu.memref_slice %arg4[%add3A_99, %dma_wait3A_390] : memref<204800x128xf32, #tpu.memory_space<hbm>> -> memref<200x128xf32, #tpu.memory_space<hbm>>
      %dma_wait3A_392 = arith.constant 0 : i32
      %dma_wait3A_393 = tpu.memref_slice %arg4[%add3A_99, %dma_wait3A_392] : memref<204800x128xf32, #tpu.memory_space<hbm>> -> memref<200x128xf32, #tpu.memory_space<hbm>>
      tpu.wait_dma2 semaphore(%run_scoped3A_385 : memref<!tpu.dma_semaphore, #tpu.memory_space<semaphore_mem>>) src(%arg8 : memref<200x128xf32, #tpu.memory_space<vmem>>) dst(%dma_wait3A_393 : memref<200x128xf32, #tpu.memory_space<hbm>>)
      tpu.yield
    }) : () -> ()
    %dma_start3A_100 = arith.constant 2000 : i32
    %dma_start3A_101 = tpu.memref_slice %arg5[%dma_start3A_100] : memref<6400xi32, #tpu.memory_space<vmem>> -> memref<200xi32, #tpu.memory_space<vmem>>
    %dma_start3A_102 = arith.constant 0 : i32
    %dma_start3A_103 = arith.constant 0 : i32
    %dma_start3A_104 = tpu.memref_slice %arg3[%dma_start3A_102, %dma_start3A_103] : memref<1000000x128xf32, #tpu.memory_space<hbm>> -> memref<1000000x128xf32, #tpu.memory_space<hbm>>
    tpu.enqueue_indirect_dma source(%dma_start3A_104 : memref<1000000x128xf32, #tpu.memory_space<hbm>>) target(%arg8 : memref<200x128xf32, #tpu.memory_space<vmem>>) offsets(%dma_start3A_101 : memref<200xi32, #tpu.memory_space<vmem>>) semaphore(%arg12 : memref<!tpu.dma_semaphore, #tpu.memory_space<semaphore_mem>>)
    %dma_wait3A_105 = arith.constant 1400 : i32
    %dma_wait3A_106 = tpu.memref_slice %arg5[%dma_wait3A_105] : memref<6400xi32, #tpu.memory_space<vmem>> -> memref<200xi32, #tpu.memory_space<vmem>>
    %dma_wait3A_107 = arith.constant 0 : i32
    %dma_wait3A_108 = arith.constant 0 : i32
    %dma_wait3A_109 = tpu.memref_slice %arg3[%dma_wait3A_107, %dma_wait3A_108] : memref<1000000x128xf32, #tpu.memory_space<hbm>> -> memref<1000000x128xf32, #tpu.memory_space<hbm>>
    tpu.wait_indirect_dma semaphore(%arg13 : memref<!tpu.dma_semaphore, #tpu.memory_space<semaphore_mem>>) src(%dma_wait3A_109 : memref<1000000x128xf32, #tpu.memory_space<hbm>>) dst(%arg9 : memref<200x128xf32, #tpu.memory_space<vmem>>)
    %add3A_110 = arith.constant 1400 : i32
    %add3A_111 = arith.addi %mul3A_2, %add3A_110 : i32
    "tpu.region"() ({
      %run_scoped3A_385 = tpu.sem_alloc : memref<!tpu.dma_semaphore, #tpu.memory_space<semaphore_mem>>
      %dma_start3A_386 = arith.constant 0 : i32
      %dma_start3A_387 = tpu.memref_slice %arg4[%add3A_111, %dma_start3A_386] : memref<204800x128xf32, #tpu.memory_space<hbm>> -> memref<200x128xf32, #tpu.memory_space<hbm>>
      %dma_start3A_388 = arith.constant 0 : i32
      %dma_start3A_389 = tpu.memref_slice %arg4[%add3A_111, %dma_start3A_388] : memref<204800x128xf32, #tpu.memory_space<hbm>> -> memref<200x128xf32, #tpu.memory_space<hbm>>
      tpu.enqueue_dma source(%arg9 : memref<200x128xf32, #tpu.memory_space<vmem>>) target(%dma_start3A_389 : memref<200x128xf32, #tpu.memory_space<hbm>>) target_semaphore(%run_scoped3A_385 : memref<!tpu.dma_semaphore, #tpu.memory_space<semaphore_mem>>)
      %dma_wait3A_390 = arith.constant 0 : i32
      %dma_wait3A_391 = tpu.memref_slice %arg4[%add3A_111, %dma_wait3A_390] : memref<204800x128xf32, #tpu.memory_space<hbm>> -> memref<200x128xf32, #tpu.memory_space<hbm>>
      %dma_wait3A_392 = arith.constant 0 : i32
      %dma_wait3A_393 = tpu.memref_slice %arg4[%add3A_111, %dma_wait3A_392] : memref<204800x128xf32, #tpu.memory_space<hbm>> -> memref<200x128xf32, #tpu.memory_space<hbm>>
      tpu.wait_dma2 semaphore(%run_scoped3A_385 : memref<!tpu.dma_semaphore, #tpu.memory_space<semaphore_mem>>) src(%arg9 : memref<200x128xf32, #tpu.memory_space<vmem>>) dst(%dma_wait3A_393 : memref<200x128xf32, #tpu.memory_space<hbm>>)
      tpu.yield
    }) : () -> ()
    %dma_start3A_112 = arith.constant 2200 : i32
    %dma_start3A_113 = tpu.memref_slice %arg5[%dma_start3A_112] : memref<6400xi32, #tpu.memory_space<vmem>> -> memref<200xi32, #tpu.memory_space<vmem>>
    %dma_start3A_114 = arith.constant 0 : i32
    %dma_start3A_115 = arith.constant 0 : i32
    %dma_start3A_116 = tpu.memref_slice %arg3[%dma_start3A_114, %dma_start3A_115] : memref<1000000x128xf32, #tpu.memory_space<hbm>> -> memref<1000000x128xf32, #tpu.memory_space<hbm>>
    tpu.enqueue_indirect_dma source(%dma_start3A_116 : memref<1000000x128xf32, #tpu.memory_space<hbm>>) target(%arg9 : memref<200x128xf32, #tpu.memory_space<vmem>>) offsets(%dma_start3A_113 : memref<200xi32, #tpu.memory_space<vmem>>) semaphore(%arg13 : memref<!tpu.dma_semaphore, #tpu.memory_space<semaphore_mem>>)
    %dma_wait3A_117 = arith.constant 1600 : i32
    %dma_wait3A_118 = tpu.memref_slice %arg5[%dma_wait3A_117] : memref<6400xi32, #tpu.memory_space<vmem>> -> memref<200xi32, #tpu.memory_space<vmem>>
    %dma_wait3A_119 = arith.constant 0 : i32
    %dma_wait3A_120 = arith.constant 0 : i32
    %dma_wait3A_121 = tpu.memref_slice %arg3[%dma_wait3A_119, %dma_wait3A_120] : memref<1000000x128xf32, #tpu.memory_space<hbm>> -> memref<1000000x128xf32, #tpu.memory_space<hbm>>
    tpu.wait_indirect_dma semaphore(%arg10 : memref<!tpu.dma_semaphore, #tpu.memory_space<semaphore_mem>>) src(%dma_wait3A_121 : memref<1000000x128xf32, #tpu.memory_space<hbm>>) dst(%arg6 : memref<200x128xf32, #tpu.memory_space<vmem>>)
    %add3A_122 = arith.constant 1600 : i32
    %add3A_123 = arith.addi %mul3A_2, %add3A_122 : i32
    "tpu.region"() ({
      %run_scoped3A_385 = tpu.sem_alloc : memref<!tpu.dma_semaphore, #tpu.memory_space<semaphore_mem>>
      %dma_start3A_386 = arith.constant 0 : i32
      %dma_start3A_387 = tpu.memref_slice %arg4[%add3A_123, %dma_start3A_386] : memref<204800x128xf32, #tpu.memory_space<hbm>> -> memref<200x128xf32, #tpu.memory_space<hbm>>
      %dma_start3A_388 = arith.constant 0 : i32
      %dma_start3A_389 = tpu.memref_slice %arg4[%add3A_123, %dma_start3A_388] : memref<204800x128xf32, #tpu.memory_space<hbm>> -> memref<200x128xf32, #tpu.memory_space<hbm>>
      tpu.enqueue_dma source(%arg6 : memref<200x128xf32, #tpu.memory_space<vmem>>) target(%dma_start3A_389 : memref<200x128xf32, #tpu.memory_space<hbm>>) target_semaphore(%run_scoped3A_385 : memref<!tpu.dma_semaphore, #tpu.memory_space<semaphore_mem>>)
      %dma_wait3A_390 = arith.constant 0 : i32
      %dma_wait3A_391 = tpu.memref_slice %arg4[%add3A_123, %dma_wait3A_390] : memref<204800x128xf32, #tpu.memory_space<hbm>> -> memref<200x128xf32, #tpu.memory_space<hbm>>
      %dma_wait3A_392 = arith.constant 0 : i32
      %dma_wait3A_393 = tpu.memref_slice %arg4[%add3A_123, %dma_wait3A_392] : memref<204800x128xf32, #tpu.memory_space<hbm>> -> memref<200x128xf32, #tpu.memory_space<hbm>>
      tpu.wait_dma2 semaphore(%run_scoped3A_385 : memref<!tpu.dma_semaphore, #tpu.memory_space<semaphore_mem>>) src(%arg6 : memref<200x128xf32, #tpu.memory_space<vmem>>) dst(%dma_wait3A_393 : memref<200x128xf32, #tpu.memory_space<hbm>>)
      tpu.yield
    }) : () -> ()
    %dma_start3A_124 = arith.constant 2400 : i32
    %dma_start3A_125 = tpu.memref_slice %arg5[%dma_start3A_124] : memref<6400xi32, #tpu.memory_space<vmem>> -> memref<200xi32, #tpu.memory_space<vmem>>
    %dma_start3A_126 = arith.constant 0 : i32
    %dma_start3A_127 = arith.constant 0 : i32
    %dma_start3A_128 = tpu.memref_slice %arg3[%dma_start3A_126, %dma_start3A_127] : memref<1000000x128xf32, #tpu.memory_space<hbm>> -> memref<1000000x128xf32, #tpu.memory_space<hbm>>
    tpu.enqueue_indirect_dma source(%dma_start3A_128 : memref<1000000x128xf32, #tpu.memory_space<hbm>>) target(%arg6 : memref<200x128xf32, #tpu.memory_space<vmem>>) offsets(%dma_start3A_125 : memref<200xi32, #tpu.memory_space<vmem>>) semaphore(%arg10 : memref<!tpu.dma_semaphore, #tpu.memory_space<semaphore_mem>>)
    %dma_wait3A_129 = arith.constant 1800 : i32
    %dma_wait3A_130 = tpu.memref_slice %arg5[%dma_wait3A_129] : memref<6400xi32, #tpu.memory_space<vmem>> -> memref<200xi32, #tpu.memory_space<vmem>>
    %dma_wait3A_131 = arith.constant 0 : i32
    %dma_wait3A_132 = arith.constant 0 : i32
    %dma_wait3A_133 = tpu.memref_slice %arg3[%dma_wait3A_131, %dma_wait3A_132] : memref<1000000x128xf32, #tpu.memory_space<hbm>> -> memref<1000000x128xf32, #tpu.memory_space<hbm>>
    tpu.wait_indirect_dma semaphore(%arg11 : memref<!tpu.dma_semaphore, #tpu.memory_space<semaphore_mem>>) src(%dma_wait3A_133 : memref<1000000x128xf32, #tpu.memory_space<hbm>>) dst(%arg7 : memref<200x128xf32, #tpu.memory_space<vmem>>)
    %add3A_134 = arith.constant 1800 : i32
    %add3A_135 = arith.addi %mul3A_2, %add3A_134 : i32
    "tpu.region"() ({
      %run_scoped3A_385 = tpu.sem_alloc : memref<!tpu.dma_semaphore, #tpu.memory_space<semaphore_mem>>
      %dma_start3A_386 = arith.constant 0 : i32
      %dma_start3A_387 = tpu.memref_slice %arg4[%add3A_135, %dma_start3A_386] : memref<204800x128xf32, #tpu.memory_space<hbm>> -> memref<200x128xf32, #tpu.memory_space<hbm>>
      %dma_start3A_388 = arith.constant 0 : i32
      %dma_start3A_389 = tpu.memref_slice %arg4[%add3A_135, %dma_start3A_388] : memref<204800x128xf32, #tpu.memory_space<hbm>> -> memref<200x128xf32, #tpu.memory_space<hbm>>
      tpu.enqueue_dma source(%arg7 : memref<200x128xf32, #tpu.memory_space<vmem>>) target(%dma_start3A_389 : memref<200x128xf32, #tpu.memory_space<hbm>>) target_semaphore(%run_scoped3A_385 : memref<!tpu.dma_semaphore, #tpu.memory_space<semaphore_mem>>)
      %dma_wait3A_390 = arith.constant 0 : i32
      %dma_wait3A_391 = tpu.memref_slice %arg4[%add3A_135, %dma_wait3A_390] : memref<204800x128xf32, #tpu.memory_space<hbm>> -> memref<200x128xf32, #tpu.memory_space<hbm>>
      %dma_wait3A_392 = arith.constant 0 : i32
      %dma_wait3A_393 = tpu.memref_slice %arg4[%add3A_135, %dma_wait3A_392] : memref<204800x128xf32, #tpu.memory_space<hbm>> -> memref<200x128xf32, #tpu.memory_space<hbm>>
      tpu.wait_dma2 semaphore(%run_scoped3A_385 : memref<!tpu.dma_semaphore, #tpu.memory_space<semaphore_mem>>) src(%arg7 : memref<200x128xf32, #tpu.memory_space<vmem>>) dst(%dma_wait3A_393 : memref<200x128xf32, #tpu.memory_space<hbm>>)
      tpu.yield
    }) : () -> ()
    %dma_start3A_136 = arith.constant 2600 : i32
    %dma_start3A_137 = tpu.memref_slice %arg5[%dma_start3A_136] : memref<6400xi32, #tpu.memory_space<vmem>> -> memref<200xi32, #tpu.memory_space<vmem>>
    %dma_start3A_138 = arith.constant 0 : i32
    %dma_start3A_139 = arith.constant 0 : i32
    %dma_start3A_140 = tpu.memref_slice %arg3[%dma_start3A_138, %dma_start3A_139] : memref<1000000x128xf32, #tpu.memory_space<hbm>> -> memref<1000000x128xf32, #tpu.memory_space<hbm>>
    tpu.enqueue_indirect_dma source(%dma_start3A_140 : memref<1000000x128xf32, #tpu.memory_space<hbm>>) target(%arg7 : memref<200x128xf32, #tpu.memory_space<vmem>>) offsets(%dma_start3A_137 : memref<200xi32, #tpu.memory_space<vmem>>) semaphore(%arg11 : memref<!tpu.dma_semaphore, #tpu.memory_space<semaphore_mem>>)
    %dma_wait3A_141 = arith.constant 2000 : i32
    %dma_wait3A_142 = tpu.memref_slice %arg5[%dma_wait3A_141] : memref<6400xi32, #tpu.memory_space<vmem>> -> memref<200xi32, #tpu.memory_space<vmem>>
    %dma_wait3A_143 = arith.constant 0 : i32
    %dma_wait3A_144 = arith.constant 0 : i32
    %dma_wait3A_145 = tpu.memref_slice %arg3[%dma_wait3A_143, %dma_wait3A_144] : memref<1000000x128xf32, #tpu.memory_space<hbm>> -> memref<1000000x128xf32, #tpu.memory_space<hbm>>
    tpu.wait_indirect_dma semaphore(%arg12 : memref<!tpu.dma_semaphore, #tpu.memory_space<semaphore_mem>>) src(%dma_wait3A_145 : memref<1000000x128xf32, #tpu.memory_space<hbm>>) dst(%arg8 : memref<200x128xf32, #tpu.memory_space<vmem>>)
    %add3A_146 = arith.constant 2000 : i32
    %add3A_147 = arith.addi %mul3A_2, %add3A_146 : i32
    "tpu.region"() ({
      %run_scoped3A_385 = tpu.sem_alloc : memref<!tpu.dma_semaphore, #tpu.memory_space<semaphore_mem>>
      %dma_start3A_386 = arith.constant 0 : i32
      %dma_start3A_387 = tpu.memref_slice %arg4[%add3A_147, %dma_start3A_386] : memref<204800x128xf32, #tpu.memory_space<hbm>> -> memref<200x128xf32, #tpu.memory_space<hbm>>
      %dma_start3A_388 = arith.constant 0 : i32
      %dma_start3A_389 = tpu.memref_slice %arg4[%add3A_147, %dma_start3A_388] : memref<204800x128xf32, #tpu.memory_space<hbm>> -> memref<200x128xf32, #tpu.memory_space<hbm>>
      tpu.enqueue_dma source(%arg8 : memref<200x128xf32, #tpu.memory_space<vmem>>) target(%dma_start3A_389 : memref<200x128xf32, #tpu.memory_space<hbm>>) target_semaphore(%run_scoped3A_385 : memref<!tpu.dma_semaphore, #tpu.memory_space<semaphore_mem>>)
      %dma_wait3A_390 = arith.constant 0 : i32
      %dma_wait3A_391 = tpu.memref_slice %arg4[%add3A_147, %dma_wait3A_390] : memref<204800x128xf32, #tpu.memory_space<hbm>> -> memref<200x128xf32, #tpu.memory_space<hbm>>
      %dma_wait3A_392 = arith.constant 0 : i32
      %dma_wait3A_393 = tpu.memref_slice %arg4[%add3A_147, %dma_wait3A_392] : memref<204800x128xf32, #tpu.memory_space<hbm>> -> memref<200x128xf32, #tpu.memory_space<hbm>>
      tpu.wait_dma2 semaphore(%run_scoped3A_385 : memref<!tpu.dma_semaphore, #tpu.memory_space<semaphore_mem>>) src(%arg8 : memref<200x128xf32, #tpu.memory_space<vmem>>) dst(%dma_wait3A_393 : memref<200x128xf32, #tpu.memory_space<hbm>>)
      tpu.yield
    }) : () -> ()
    %dma_start3A_148 = arith.constant 2800 : i32
    %dma_start3A_149 = tpu.memref_slice %arg5[%dma_start3A_148] : memref<6400xi32, #tpu.memory_space<vmem>> -> memref<200xi32, #tpu.memory_space<vmem>>
    %dma_start3A_150 = arith.constant 0 : i32
    %dma_start3A_151 = arith.constant 0 : i32
    %dma_start3A_152 = tpu.memref_slice %arg3[%dma_start3A_150, %dma_start3A_151] : memref<1000000x128xf32, #tpu.memory_space<hbm>> -> memref<1000000x128xf32, #tpu.memory_space<hbm>>
    tpu.enqueue_indirect_dma source(%dma_start3A_152 : memref<1000000x128xf32, #tpu.memory_space<hbm>>) target(%arg8 : memref<200x128xf32, #tpu.memory_space<vmem>>) offsets(%dma_start3A_149 : memref<200xi32, #tpu.memory_space<vmem>>) semaphore(%arg12 : memref<!tpu.dma_semaphore, #tpu.memory_space<semaphore_mem>>)
    %dma_wait3A_153 = arith.constant 2200 : i32
    %dma_wait3A_154 = tpu.memref_slice %arg5[%dma_wait3A_153] : memref<6400xi32, #tpu.memory_space<vmem>> -> memref<200xi32, #tpu.memory_space<vmem>>
    %dma_wait3A_155 = arith.constant 0 : i32
    %dma_wait3A_156 = arith.constant 0 : i32
    %dma_wait3A_157 = tpu.memref_slice %arg3[%dma_wait3A_155, %dma_wait3A_156] : memref<1000000x128xf32, #tpu.memory_space<hbm>> -> memref<1000000x128xf32, #tpu.memory_space<hbm>>
    tpu.wait_indirect_dma semaphore(%arg13 : memref<!tpu.dma_semaphore, #tpu.memory_space<semaphore_mem>>) src(%dma_wait3A_157 : memref<1000000x128xf32, #tpu.memory_space<hbm>>) dst(%arg9 : memref<200x128xf32, #tpu.memory_space<vmem>>)
    %add3A_158 = arith.constant 2200 : i32
    %add3A_159 = arith.addi %mul3A_2, %add3A_158 : i32
    "tpu.region"() ({
      %run_scoped3A_385 = tpu.sem_alloc : memref<!tpu.dma_semaphore, #tpu.memory_space<semaphore_mem>>
      %dma_start3A_386 = arith.constant 0 : i32
      %dma_start3A_387 = tpu.memref_slice %arg4[%add3A_159, %dma_start3A_386] : memref<204800x128xf32, #tpu.memory_space<hbm>> -> memref<200x128xf32, #tpu.memory_space<hbm>>
      %dma_start3A_388 = arith.constant 0 : i32
      %dma_start3A_389 = tpu.memref_slice %arg4[%add3A_159, %dma_start3A_388] : memref<204800x128xf32, #tpu.memory_space<hbm>> -> memref<200x128xf32, #tpu.memory_space<hbm>>
      tpu.enqueue_dma source(%arg9 : memref<200x128xf32, #tpu.memory_space<vmem>>) target(%dma_start3A_389 : memref<200x128xf32, #tpu.memory_space<hbm>>) target_semaphore(%run_scoped3A_385 : memref<!tpu.dma_semaphore, #tpu.memory_space<semaphore_mem>>)
      %dma_wait3A_390 = arith.constant 0 : i32
      %dma_wait3A_391 = tpu.memref_slice %arg4[%add3A_159, %dma_wait3A_390] : memref<204800x128xf32, #tpu.memory_space<hbm>> -> memref<200x128xf32, #tpu.memory_space<hbm>>
      %dma_wait3A_392 = arith.constant 0 : i32
      %dma_wait3A_393 = tpu.memref_slice %arg4[%add3A_159, %dma_wait3A_392] : memref<204800x128xf32, #tpu.memory_space<hbm>> -> memref<200x128xf32, #tpu.memory_space<hbm>>
      tpu.wait_dma2 semaphore(%run_scoped3A_385 : memref<!tpu.dma_semaphore, #tpu.memory_space<semaphore_mem>>) src(%arg9 : memref<200x128xf32, #tpu.memory_space<vmem>>) dst(%dma_wait3A_393 : memref<200x128xf32, #tpu.memory_space<hbm>>)
      tpu.yield
    }) : () -> ()
    %dma_start3A_160 = arith.constant 3000 : i32
    %dma_start3A_161 = tpu.memref_slice %arg5[%dma_start3A_160] : memref<6400xi32, #tpu.memory_space<vmem>> -> memref<200xi32, #tpu.memory_space<vmem>>
    %dma_start3A_162 = arith.constant 0 : i32
    %dma_start3A_163 = arith.constant 0 : i32
    %dma_start3A_164 = tpu.memref_slice %arg3[%dma_start3A_162, %dma_start3A_163] : memref<1000000x128xf32, #tpu.memory_space<hbm>> -> memref<1000000x128xf32, #tpu.memory_space<hbm>>
    tpu.enqueue_indirect_dma source(%dma_start3A_164 : memref<1000000x128xf32, #tpu.memory_space<hbm>>) target(%arg9 : memref<200x128xf32, #tpu.memory_space<vmem>>) offsets(%dma_start3A_161 : memref<200xi32, #tpu.memory_space<vmem>>) semaphore(%arg13 : memref<!tpu.dma_semaphore, #tpu.memory_space<semaphore_mem>>)
    %dma_wait3A_165 = arith.constant 2400 : i32
    %dma_wait3A_166 = tpu.memref_slice %arg5[%dma_wait3A_165] : memref<6400xi32, #tpu.memory_space<vmem>> -> memref<200xi32, #tpu.memory_space<vmem>>
    %dma_wait3A_167 = arith.constant 0 : i32
    %dma_wait3A_168 = arith.constant 0 : i32
    %dma_wait3A_169 = tpu.memref_slice %arg3[%dma_wait3A_167, %dma_wait3A_168] : memref<1000000x128xf32, #tpu.memory_space<hbm>> -> memref<1000000x128xf32, #tpu.memory_space<hbm>>
    tpu.wait_indirect_dma semaphore(%arg10 : memref<!tpu.dma_semaphore, #tpu.memory_space<semaphore_mem>>) src(%dma_wait3A_169 : memref<1000000x128xf32, #tpu.memory_space<hbm>>) dst(%arg6 : memref<200x128xf32, #tpu.memory_space<vmem>>)
    %add3A_170 = arith.constant 2400 : i32
    %add3A_171 = arith.addi %mul3A_2, %add3A_170 : i32
    "tpu.region"() ({
      %run_scoped3A_385 = tpu.sem_alloc : memref<!tpu.dma_semaphore, #tpu.memory_space<semaphore_mem>>
      %dma_start3A_386 = arith.constant 0 : i32
      %dma_start3A_387 = tpu.memref_slice %arg4[%add3A_171, %dma_start3A_386] : memref<204800x128xf32, #tpu.memory_space<hbm>> -> memref<200x128xf32, #tpu.memory_space<hbm>>
      %dma_start3A_388 = arith.constant 0 : i32
      %dma_start3A_389 = tpu.memref_slice %arg4[%add3A_171, %dma_start3A_388] : memref<204800x128xf32, #tpu.memory_space<hbm>> -> memref<200x128xf32, #tpu.memory_space<hbm>>
      tpu.enqueue_dma source(%arg6 : memref<200x128xf32, #tpu.memory_space<vmem>>) target(%dma_start3A_389 : memref<200x128xf32, #tpu.memory_space<hbm>>) target_semaphore(%run_scoped3A_385 : memref<!tpu.dma_semaphore, #tpu.memory_space<semaphore_mem>>)
      %dma_wait3A_390 = arith.constant 0 : i32
      %dma_wait3A_391 = tpu.memref_slice %arg4[%add3A_171, %dma_wait3A_390] : memref<204800x128xf32, #tpu.memory_space<hbm>> -> memref<200x128xf32, #tpu.memory_space<hbm>>
      %dma_wait3A_392 = arith.constant 0 : i32
      %dma_wait3A_393 = tpu.memref_slice %arg4[%add3A_171, %dma_wait3A_392] : memref<204800x128xf32, #tpu.memory_space<hbm>> -> memref<200x128xf32, #tpu.memory_space<hbm>>
      tpu.wait_dma2 semaphore(%run_scoped3A_385 : memref<!tpu.dma_semaphore, #tpu.memory_space<semaphore_mem>>) src(%arg6 : memref<200x128xf32, #tpu.memory_space<vmem>>) dst(%dma_wait3A_393 : memref<200x128xf32, #tpu.memory_space<hbm>>)
      tpu.yield
    }) : () -> ()
    %dma_start3A_172 = arith.constant 3200 : i32
    %dma_start3A_173 = tpu.memref_slice %arg5[%dma_start3A_172] : memref<6400xi32, #tpu.memory_space<vmem>> -> memref<200xi32, #tpu.memory_space<vmem>>
    %dma_start3A_174 = arith.constant 0 : i32
    %dma_start3A_175 = arith.constant 0 : i32
    %dma_start3A_176 = tpu.memref_slice %arg3[%dma_start3A_174, %dma_start3A_175] : memref<1000000x128xf32, #tpu.memory_space<hbm>> -> memref<1000000x128xf32, #tpu.memory_space<hbm>>
    tpu.enqueue_indirect_dma source(%dma_start3A_176 : memref<1000000x128xf32, #tpu.memory_space<hbm>>) target(%arg6 : memref<200x128xf32, #tpu.memory_space<vmem>>) offsets(%dma_start3A_173 : memref<200xi32, #tpu.memory_space<vmem>>) semaphore(%arg10 : memref<!tpu.dma_semaphore, #tpu.memory_space<semaphore_mem>>)
    %dma_wait3A_177 = arith.constant 2600 : i32
    %dma_wait3A_178 = tpu.memref_slice %arg5[%dma_wait3A_177] : memref<6400xi32, #tpu.memory_space<vmem>> -> memref<200xi32, #tpu.memory_space<vmem>>
    %dma_wait3A_179 = arith.constant 0 : i32
    %dma_wait3A_180 = arith.constant 0 : i32
    %dma_wait3A_181 = tpu.memref_slice %arg3[%dma_wait3A_179, %dma_wait3A_180] : memref<1000000x128xf32, #tpu.memory_space<hbm>> -> memref<1000000x128xf32, #tpu.memory_space<hbm>>
    tpu.wait_indirect_dma semaphore(%arg11 : memref<!tpu.dma_semaphore, #tpu.memory_space<semaphore_mem>>) src(%dma_wait3A_181 : memref<1000000x128xf32, #tpu.memory_space<hbm>>) dst(%arg7 : memref<200x128xf32, #tpu.memory_space<vmem>>)
    %add3A_182 = arith.constant 2600 : i32
    %add3A_183 = arith.addi %mul3A_2, %add3A_182 : i32
    "tpu.region"() ({
      %run_scoped3A_385 = tpu.sem_alloc : memref<!tpu.dma_semaphore, #tpu.memory_space<semaphore_mem>>
      %dma_start3A_386 = arith.constant 0 : i32
      %dma_start3A_387 = tpu.memref_slice %arg4[%add3A_183, %dma_start3A_386] : memref<204800x128xf32, #tpu.memory_space<hbm>> -> memref<200x128xf32, #tpu.memory_space<hbm>>
      %dma_start3A_388 = arith.constant 0 : i32
      %dma_start3A_389 = tpu.memref_slice %arg4[%add3A_183, %dma_start3A_388] : memref<204800x128xf32, #tpu.memory_space<hbm>> -> memref<200x128xf32, #tpu.memory_space<hbm>>
      tpu.enqueue_dma source(%arg7 : memref<200x128xf32, #tpu.memory_space<vmem>>) target(%dma_start3A_389 : memref<200x128xf32, #tpu.memory_space<hbm>>) target_semaphore(%run_scoped3A_385 : memref<!tpu.dma_semaphore, #tpu.memory_space<semaphore_mem>>)
      %dma_wait3A_390 = arith.constant 0 : i32
      %dma_wait3A_391 = tpu.memref_slice %arg4[%add3A_183, %dma_wait3A_390] : memref<204800x128xf32, #tpu.memory_space<hbm>> -> memref<200x128xf32, #tpu.memory_space<hbm>>
      %dma_wait3A_392 = arith.constant 0 : i32
      %dma_wait3A_393 = tpu.memref_slice %arg4[%add3A_183, %dma_wait3A_392] : memref<204800x128xf32, #tpu.memory_space<hbm>> -> memref<200x128xf32, #tpu.memory_space<hbm>>
      tpu.wait_dma2 semaphore(%run_scoped3A_385 : memref<!tpu.dma_semaphore, #tpu.memory_space<semaphore_mem>>) src(%arg7 : memref<200x128xf32, #tpu.memory_space<vmem>>) dst(%dma_wait3A_393 : memref<200x128xf32, #tpu.memory_space<hbm>>)
      tpu.yield
    }) : () -> ()
    %dma_start3A_184 = arith.constant 3400 : i32
    %dma_start3A_185 = tpu.memref_slice %arg5[%dma_start3A_184] : memref<6400xi32, #tpu.memory_space<vmem>> -> memref<200xi32, #tpu.memory_space<vmem>>
    %dma_start3A_186 = arith.constant 0 : i32
    %dma_start3A_187 = arith.constant 0 : i32
    %dma_start3A_188 = tpu.memref_slice %arg3[%dma_start3A_186, %dma_start3A_187] : memref<1000000x128xf32, #tpu.memory_space<hbm>> -> memref<1000000x128xf32, #tpu.memory_space<hbm>>
    tpu.enqueue_indirect_dma source(%dma_start3A_188 : memref<1000000x128xf32, #tpu.memory_space<hbm>>) target(%arg7 : memref<200x128xf32, #tpu.memory_space<vmem>>) offsets(%dma_start3A_185 : memref<200xi32, #tpu.memory_space<vmem>>) semaphore(%arg11 : memref<!tpu.dma_semaphore, #tpu.memory_space<semaphore_mem>>)
    %dma_wait3A_189 = arith.constant 2800 : i32
    %dma_wait3A_190 = tpu.memref_slice %arg5[%dma_wait3A_189] : memref<6400xi32, #tpu.memory_space<vmem>> -> memref<200xi32, #tpu.memory_space<vmem>>
    %dma_wait3A_191 = arith.constant 0 : i32
    %dma_wait3A_192 = arith.constant 0 : i32
    %dma_wait3A_193 = tpu.memref_slice %arg3[%dma_wait3A_191, %dma_wait3A_192] : memref<1000000x128xf32, #tpu.memory_space<hbm>> -> memref<1000000x128xf32, #tpu.memory_space<hbm>>
    tpu.wait_indirect_dma semaphore(%arg12 : memref<!tpu.dma_semaphore, #tpu.memory_space<semaphore_mem>>) src(%dma_wait3A_193 : memref<1000000x128xf32, #tpu.memory_space<hbm>>) dst(%arg8 : memref<200x128xf32, #tpu.memory_space<vmem>>)
    %add3A_194 = arith.constant 2800 : i32
    %add3A_195 = arith.addi %mul3A_2, %add3A_194 : i32
    "tpu.region"() ({
      %run_scoped3A_385 = tpu.sem_alloc : memref<!tpu.dma_semaphore, #tpu.memory_space<semaphore_mem>>
      %dma_start3A_386 = arith.constant 0 : i32
      %dma_start3A_387 = tpu.memref_slice %arg4[%add3A_195, %dma_start3A_386] : memref<204800x128xf32, #tpu.memory_space<hbm>> -> memref<200x128xf32, #tpu.memory_space<hbm>>
      %dma_start3A_388 = arith.constant 0 : i32
      %dma_start3A_389 = tpu.memref_slice %arg4[%add3A_195, %dma_start3A_388] : memref<204800x128xf32, #tpu.memory_space<hbm>> -> memref<200x128xf32, #tpu.memory_space<hbm>>
      tpu.enqueue_dma source(%arg8 : memref<200x128xf32, #tpu.memory_space<vmem>>) target(%dma_start3A_389 : memref<200x128xf32, #tpu.memory_space<hbm>>) target_semaphore(%run_scoped3A_385 : memref<!tpu.dma_semaphore, #tpu.memory_space<semaphore_mem>>)
      %dma_wait3A_390 = arith.constant 0 : i32
      %dma_wait3A_391 = tpu.memref_slice %arg4[%add3A_195, %dma_wait3A_390] : memref<204800x128xf32, #tpu.memory_space<hbm>> -> memref<200x128xf32, #tpu.memory_space<hbm>>
      %dma_wait3A_392 = arith.constant 0 : i32
      %dma_wait3A_393 = tpu.memref_slice %arg4[%add3A_195, %dma_wait3A_392] : memref<204800x128xf32, #tpu.memory_space<hbm>> -> memref<200x128xf32, #tpu.memory_space<hbm>>
      tpu.wait_dma2 semaphore(%run_scoped3A_385 : memref<!tpu.dma_semaphore, #tpu.memory_space<semaphore_mem>>) src(%arg8 : memref<200x128xf32, #tpu.memory_space<vmem>>) dst(%dma_wait3A_393 : memref<200x128xf32, #tpu.memory_space<hbm>>)
      tpu.yield
    }) : () -> ()
    %dma_start3A_196 = arith.constant 3600 : i32
    %dma_start3A_197 = tpu.memref_slice %arg5[%dma_start3A_196] : memref<6400xi32, #tpu.memory_space<vmem>> -> memref<200xi32, #tpu.memory_space<vmem>>
    %dma_start3A_198 = arith.constant 0 : i32
    %dma_start3A_199 = arith.constant 0 : i32
    %dma_start3A_200 = tpu.memref_slice %arg3[%dma_start3A_198, %dma_start3A_199] : memref<1000000x128xf32, #tpu.memory_space<hbm>> -> memref<1000000x128xf32, #tpu.memory_space<hbm>>
    tpu.enqueue_indirect_dma source(%dma_start3A_200 : memref<1000000x128xf32, #tpu.memory_space<hbm>>) target(%arg8 : memref<200x128xf32, #tpu.memory_space<vmem>>) offsets(%dma_start3A_197 : memref<200xi32, #tpu.memory_space<vmem>>) semaphore(%arg12 : memref<!tpu.dma_semaphore, #tpu.memory_space<semaphore_mem>>)
    %dma_wait3A_201 = arith.constant 3000 : i32
    %dma_wait3A_202 = tpu.memref_slice %arg5[%dma_wait3A_201] : memref<6400xi32, #tpu.memory_space<vmem>> -> memref<200xi32, #tpu.memory_space<vmem>>
    %dma_wait3A_203 = arith.constant 0 : i32
    %dma_wait3A_204 = arith.constant 0 : i32
    %dma_wait3A_205 = tpu.memref_slice %arg3[%dma_wait3A_203, %dma_wait3A_204] : memref<1000000x128xf32, #tpu.memory_space<hbm>> -> memref<1000000x128xf32, #tpu.memory_space<hbm>>
    tpu.wait_indirect_dma semaphore(%arg13 : memref<!tpu.dma_semaphore, #tpu.memory_space<semaphore_mem>>) src(%dma_wait3A_205 : memref<1000000x128xf32, #tpu.memory_space<hbm>>) dst(%arg9 : memref<200x128xf32, #tpu.memory_space<vmem>>)
    %add3A_206 = arith.constant 3000 : i32
    %add3A_207 = arith.addi %mul3A_2, %add3A_206 : i32
    "tpu.region"() ({
      %run_scoped3A_385 = tpu.sem_alloc : memref<!tpu.dma_semaphore, #tpu.memory_space<semaphore_mem>>
      %dma_start3A_386 = arith.constant 0 : i32
      %dma_start3A_387 = tpu.memref_slice %arg4[%add3A_207, %dma_start3A_386] : memref<204800x128xf32, #tpu.memory_space<hbm>> -> memref<200x128xf32, #tpu.memory_space<hbm>>
      %dma_start3A_388 = arith.constant 0 : i32
      %dma_start3A_389 = tpu.memref_slice %arg4[%add3A_207, %dma_start3A_388] : memref<204800x128xf32, #tpu.memory_space<hbm>> -> memref<200x128xf32, #tpu.memory_space<hbm>>
      tpu.enqueue_dma source(%arg9 : memref<200x128xf32, #tpu.memory_space<vmem>>) target(%dma_start3A_389 : memref<200x128xf32, #tpu.memory_space<hbm>>) target_semaphore(%run_scoped3A_385 : memref<!tpu.dma_semaphore, #tpu.memory_space<semaphore_mem>>)
      %dma_wait3A_390 = arith.constant 0 : i32
      %dma_wait3A_391 = tpu.memref_slice %arg4[%add3A_207, %dma_wait3A_390] : memref<204800x128xf32, #tpu.memory_space<hbm>> -> memref<200x128xf32, #tpu.memory_space<hbm>>
      %dma_wait3A_392 = arith.constant 0 : i32
      %dma_wait3A_393 = tpu.memref_slice %arg4[%add3A_207, %dma_wait3A_392] : memref<204800x128xf32, #tpu.memory_space<hbm>> -> memref<200x128xf32, #tpu.memory_space<hbm>>
      tpu.wait_dma2 semaphore(%run_scoped3A_385 : memref<!tpu.dma_semaphore, #tpu.memory_space<semaphore_mem>>) src(%arg9 : memref<200x128xf32, #tpu.memory_space<vmem>>) dst(%dma_wait3A_393 : memref<200x128xf32, #tpu.memory_space<hbm>>)
      tpu.yield
    }) : () -> ()
    %dma_start3A_208 = arith.constant 3800 : i32
    %dma_start3A_209 = tpu.memref_slice %arg5[%dma_start3A_208] : memref<6400xi32, #tpu.memory_space<vmem>> -> memref<200xi32, #tpu.memory_space<vmem>>
    %dma_start3A_210 = arith.constant 0 : i32
    %dma_start3A_211 = arith.constant 0 : i32
    %dma_start3A_212 = tpu.memref_slice %arg3[%dma_start3A_210, %dma_start3A_211] : memref<1000000x128xf32, #tpu.memory_space<hbm>> -> memref<1000000x128xf32, #tpu.memory_space<hbm>>
    tpu.enqueue_indirect_dma source(%dma_start3A_212 : memref<1000000x128xf32, #tpu.memory_space<hbm>>) target(%arg9 : memref<200x128xf32, #tpu.memory_space<vmem>>) offsets(%dma_start3A_209 : memref<200xi32, #tpu.memory_space<vmem>>) semaphore(%arg13 : memref<!tpu.dma_semaphore, #tpu.memory_space<semaphore_mem>>)
    %dma_wait3A_213 = arith.constant 3200 : i32
    %dma_wait3A_214 = tpu.memref_slice %arg5[%dma_wait3A_213] : memref<6400xi32, #tpu.memory_space<vmem>> -> memref<200xi32, #tpu.memory_space<vmem>>
    %dma_wait3A_215 = arith.constant 0 : i32
    %dma_wait3A_216 = arith.constant 0 : i32
    %dma_wait3A_217 = tpu.memref_slice %arg3[%dma_wait3A_215, %dma_wait3A_216] : memref<1000000x128xf32, #tpu.memory_space<hbm>> -> memref<1000000x128xf32, #tpu.memory_space<hbm>>
    tpu.wait_indirect_dma semaphore(%arg10 : memref<!tpu.dma_semaphore, #tpu.memory_space<semaphore_mem>>) src(%dma_wait3A_217 : memref<1000000x128xf32, #tpu.memory_space<hbm>>) dst(%arg6 : memref<200x128xf32, #tpu.memory_space<vmem>>)
    %add3A_218 = arith.constant 3200 : i32
    %add3A_219 = arith.addi %mul3A_2, %add3A_218 : i32
    "tpu.region"() ({
      %run_scoped3A_385 = tpu.sem_alloc : memref<!tpu.dma_semaphore, #tpu.memory_space<semaphore_mem>>
      %dma_start3A_386 = arith.constant 0 : i32
      %dma_start3A_387 = tpu.memref_slice %arg4[%add3A_219, %dma_start3A_386] : memref<204800x128xf32, #tpu.memory_space<hbm>> -> memref<200x128xf32, #tpu.memory_space<hbm>>
      %dma_start3A_388 = arith.constant 0 : i32
      %dma_start3A_389 = tpu.memref_slice %arg4[%add3A_219, %dma_start3A_388] : memref<204800x128xf32, #tpu.memory_space<hbm>> -> memref<200x128xf32, #tpu.memory_space<hbm>>
      tpu.enqueue_dma source(%arg6 : memref<200x128xf32, #tpu.memory_space<vmem>>) target(%dma_start3A_389 : memref<200x128xf32, #tpu.memory_space<hbm>>) target_semaphore(%run_scoped3A_385 : memref<!tpu.dma_semaphore, #tpu.memory_space<semaphore_mem>>)
      %dma_wait3A_390 = arith.constant 0 : i32
      %dma_wait3A_391 = tpu.memref_slice %arg4[%add3A_219, %dma_wait3A_390] : memref<204800x128xf32, #tpu.memory_space<hbm>> -> memref<200x128xf32, #tpu.memory_space<hbm>>
      %dma_wait3A_392 = arith.constant 0 : i32
      %dma_wait3A_393 = tpu.memref_slice %arg4[%add3A_219, %dma_wait3A_392] : memref<204800x128xf32, #tpu.memory_space<hbm>> -> memref<200x128xf32, #tpu.memory_space<hbm>>
      tpu.wait_dma2 semaphore(%run_scoped3A_385 : memref<!tpu.dma_semaphore, #tpu.memory_space<semaphore_mem>>) src(%arg6 : memref<200x128xf32, #tpu.memory_space<vmem>>) dst(%dma_wait3A_393 : memref<200x128xf32, #tpu.memory_space<hbm>>)
      tpu.yield
    }) : () -> ()
    %dma_start3A_220 = arith.constant 4000 : i32
    %dma_start3A_221 = tpu.memref_slice %arg5[%dma_start3A_220] : memref<6400xi32, #tpu.memory_space<vmem>> -> memref<200xi32, #tpu.memory_space<vmem>>
    %dma_start3A_222 = arith.constant 0 : i32
    %dma_start3A_223 = arith.constant 0 : i32
    %dma_start3A_224 = tpu.memref_slice %arg3[%dma_start3A_222, %dma_start3A_223] : memref<1000000x128xf32, #tpu.memory_space<hbm>> -> memref<1000000x128xf32, #tpu.memory_space<hbm>>
    tpu.enqueue_indirect_dma source(%dma_start3A_224 : memref<1000000x128xf32, #tpu.memory_space<hbm>>) target(%arg6 : memref<200x128xf32, #tpu.memory_space<vmem>>) offsets(%dma_start3A_221 : memref<200xi32, #tpu.memory_space<vmem>>) semaphore(%arg10 : memref<!tpu.dma_semaphore, #tpu.memory_space<semaphore_mem>>)
    %dma_wait3A_225 = arith.constant 3400 : i32
    %dma_wait3A_226 = tpu.memref_slice %arg5[%dma_wait3A_225] : memref<6400xi32, #tpu.memory_space<vmem>> -> memref<200xi32, #tpu.memory_space<vmem>>
    %dma_wait3A_227 = arith.constant 0 : i32
    %dma_wait3A_228 = arith.constant 0 : i32
    %dma_wait3A_229 = tpu.memref_slice %arg3[%dma_wait3A_227, %dma_wait3A_228] : memref<1000000x128xf32, #tpu.memory_space<hbm>> -> memref<1000000x128xf32, #tpu.memory_space<hbm>>
    tpu.wait_indirect_dma semaphore(%arg11 : memref<!tpu.dma_semaphore, #tpu.memory_space<semaphore_mem>>) src(%dma_wait3A_229 : memref<1000000x128xf32, #tpu.memory_space<hbm>>) dst(%arg7 : memref<200x128xf32, #tpu.memory_space<vmem>>)
    %add3A_230 = arith.constant 3400 : i32
    %add3A_231 = arith.addi %mul3A_2, %add3A_230 : i32
    "tpu.region"() ({
      %run_scoped3A_385 = tpu.sem_alloc : memref<!tpu.dma_semaphore, #tpu.memory_space<semaphore_mem>>
      %dma_start3A_386 = arith.constant 0 : i32
      %dma_start3A_387 = tpu.memref_slice %arg4[%add3A_231, %dma_start3A_386] : memref<204800x128xf32, #tpu.memory_space<hbm>> -> memref<200x128xf32, #tpu.memory_space<hbm>>
      %dma_start3A_388 = arith.constant 0 : i32
      %dma_start3A_389 = tpu.memref_slice %arg4[%add3A_231, %dma_start3A_388] : memref<204800x128xf32, #tpu.memory_space<hbm>> -> memref<200x128xf32, #tpu.memory_space<hbm>>
      tpu.enqueue_dma source(%arg7 : memref<200x128xf32, #tpu.memory_space<vmem>>) target(%dma_start3A_389 : memref<200x128xf32, #tpu.memory_space<hbm>>) target_semaphore(%run_scoped3A_385 : memref<!tpu.dma_semaphore, #tpu.memory_space<semaphore_mem>>)
      %dma_wait3A_390 = arith.constant 0 : i32
      %dma_wait3A_391 = tpu.memref_slice %arg4[%add3A_231, %dma_wait3A_390] : memref<204800x128xf32, #tpu.memory_space<hbm>> -> memref<200x128xf32, #tpu.memory_space<hbm>>
      %dma_wait3A_392 = arith.constant 0 : i32
      %dma_wait3A_393 = tpu.memref_slice %arg4[%add3A_231, %dma_wait3A_392] : memref<204800x128xf32, #tpu.memory_space<hbm>> -> memref<200x128xf32, #tpu.memory_space<hbm>>
      tpu.wait_dma2 semaphore(%run_scoped3A_385 : memref<!tpu.dma_semaphore, #tpu.memory_space<semaphore_mem>>) src(%arg7 : memref<200x128xf32, #tpu.memory_space<vmem>>) dst(%dma_wait3A_393 : memref<200x128xf32, #tpu.memory_space<hbm>>)
      tpu.yield
    }) : () -> ()
    %dma_start3A_232 = arith.constant 4200 : i32
    %dma_start3A_233 = tpu.memref_slice %arg5[%dma_start3A_232] : memref<6400xi32, #tpu.memory_space<vmem>> -> memref<200xi32, #tpu.memory_space<vmem>>
    %dma_start3A_234 = arith.constant 0 : i32
    %dma_start3A_235 = arith.constant 0 : i32
    %dma_start3A_236 = tpu.memref_slice %arg3[%dma_start3A_234, %dma_start3A_235] : memref<1000000x128xf32, #tpu.memory_space<hbm>> -> memref<1000000x128xf32, #tpu.memory_space<hbm>>
    tpu.enqueue_indirect_dma source(%dma_start3A_236 : memref<1000000x128xf32, #tpu.memory_space<hbm>>) target(%arg7 : memref<200x128xf32, #tpu.memory_space<vmem>>) offsets(%dma_start3A_233 : memref<200xi32, #tpu.memory_space<vmem>>) semaphore(%arg11 : memref<!tpu.dma_semaphore, #tpu.memory_space<semaphore_mem>>)
    %dma_wait3A_237 = arith.constant 3600 : i32
    %dma_wait3A_238 = tpu.memref_slice %arg5[%dma_wait3A_237] : memref<6400xi32, #tpu.memory_space<vmem>> -> memref<200xi32, #tpu.memory_space<vmem>>
    %dma_wait3A_239 = arith.constant 0 : i32
    %dma_wait3A_240 = arith.constant 0 : i32
    %dma_wait3A_241 = tpu.memref_slice %arg3[%dma_wait3A_239, %dma_wait3A_240] : memref<1000000x128xf32, #tpu.memory_space<hbm>> -> memref<1000000x128xf32, #tpu.memory_space<hbm>>
    tpu.wait_indirect_dma semaphore(%arg12 : memref<!tpu.dma_semaphore, #tpu.memory_space<semaphore_mem>>) src(%dma_wait3A_241 : memref<1000000x128xf32, #tpu.memory_space<hbm>>) dst(%arg8 : memref<200x128xf32, #tpu.memory_space<vmem>>)
    %add3A_242 = arith.constant 3600 : i32
    %add3A_243 = arith.addi %mul3A_2, %add3A_242 : i32
    "tpu.region"() ({
      %run_scoped3A_385 = tpu.sem_alloc : memref<!tpu.dma_semaphore, #tpu.memory_space<semaphore_mem>>
      %dma_start3A_386 = arith.constant 0 : i32
      %dma_start3A_387 = tpu.memref_slice %arg4[%add3A_243, %dma_start3A_386] : memref<204800x128xf32, #tpu.memory_space<hbm>> -> memref<200x128xf32, #tpu.memory_space<hbm>>
      %dma_start3A_388 = arith.constant 0 : i32
      %dma_start3A_389 = tpu.memref_slice %arg4[%add3A_243, %dma_start3A_388] : memref<204800x128xf32, #tpu.memory_space<hbm>> -> memref<200x128xf32, #tpu.memory_space<hbm>>
      tpu.enqueue_dma source(%arg8 : memref<200x128xf32, #tpu.memory_space<vmem>>) target(%dma_start3A_389 : memref<200x128xf32, #tpu.memory_space<hbm>>) target_semaphore(%run_scoped3A_385 : memref<!tpu.dma_semaphore, #tpu.memory_space<semaphore_mem>>)
      %dma_wait3A_390 = arith.constant 0 : i32
      %dma_wait3A_391 = tpu.memref_slice %arg4[%add3A_243, %dma_wait3A_390] : memref<204800x128xf32, #tpu.memory_space<hbm>> -> memref<200x128xf32, #tpu.memory_space<hbm>>
      %dma_wait3A_392 = arith.constant 0 : i32
      %dma_wait3A_393 = tpu.memref_slice %arg4[%add3A_243, %dma_wait3A_392] : memref<204800x128xf32, #tpu.memory_space<hbm>> -> memref<200x128xf32, #tpu.memory_space<hbm>>
      tpu.wait_dma2 semaphore(%run_scoped3A_385 : memref<!tpu.dma_semaphore, #tpu.memory_space<semaphore_mem>>) src(%arg8 : memref<200x128xf32, #tpu.memory_space<vmem>>) dst(%dma_wait3A_393 : memref<200x128xf32, #tpu.memory_space<hbm>>)
      tpu.yield
    }) : () -> ()
    %dma_start3A_244 = arith.constant 4400 : i32
    %dma_start3A_245 = tpu.memref_slice %arg5[%dma_start3A_244] : memref<6400xi32, #tpu.memory_space<vmem>> -> memref<200xi32, #tpu.memory_space<vmem>>
    %dma_start3A_246 = arith.constant 0 : i32
    %dma_start3A_247 = arith.constant 0 : i32
    %dma_start3A_248 = tpu.memref_slice %arg3[%dma_start3A_246, %dma_start3A_247] : memref<1000000x128xf32, #tpu.memory_space<hbm>> -> memref<1000000x128xf32, #tpu.memory_space<hbm>>
    tpu.enqueue_indirect_dma source(%dma_start3A_248 : memref<1000000x128xf32, #tpu.memory_space<hbm>>) target(%arg8 : memref<200x128xf32, #tpu.memory_space<vmem>>) offsets(%dma_start3A_245 : memref<200xi32, #tpu.memory_space<vmem>>) semaphore(%arg12 : memref<!tpu.dma_semaphore, #tpu.memory_space<semaphore_mem>>)
    %dma_wait3A_249 = arith.constant 3800 : i32
    %dma_wait3A_250 = tpu.memref_slice %arg5[%dma_wait3A_249] : memref<6400xi32, #tpu.memory_space<vmem>> -> memref<200xi32, #tpu.memory_space<vmem>>
    %dma_wait3A_251 = arith.constant 0 : i32
    %dma_wait3A_252 = arith.constant 0 : i32
    %dma_wait3A_253 = tpu.memref_slice %arg3[%dma_wait3A_251, %dma_wait3A_252] : memref<1000000x128xf32, #tpu.memory_space<hbm>> -> memref<1000000x128xf32, #tpu.memory_space<hbm>>
    tpu.wait_indirect_dma semaphore(%arg13 : memref<!tpu.dma_semaphore, #tpu.memory_space<semaphore_mem>>) src(%dma_wait3A_253 : memref<1000000x128xf32, #tpu.memory_space<hbm>>) dst(%arg9 : memref<200x128xf32, #tpu.memory_space<vmem>>)
    %add3A_254 = arith.constant 3800 : i32
    %add3A_255 = arith.addi %mul3A_2, %add3A_254 : i32
    "tpu.region"() ({
      %run_scoped3A_385 = tpu.sem_alloc : memref<!tpu.dma_semaphore, #tpu.memory_space<semaphore_mem>>
      %dma_start3A_386 = arith.constant 0 : i32
      %dma_start3A_387 = tpu.memref_slice %arg4[%add3A_255, %dma_start3A_386] : memref<204800x128xf32, #tpu.memory_space<hbm>> -> memref<200x128xf32, #tpu.memory_space<hbm>>
      %dma_start3A_388 = arith.constant 0 : i32
      %dma_start3A_389 = tpu.memref_slice %arg4[%add3A_255, %dma_start3A_388] : memref<204800x128xf32, #tpu.memory_space<hbm>> -> memref<200x128xf32, #tpu.memory_space<hbm>>
      tpu.enqueue_dma source(%arg9 : memref<200x128xf32, #tpu.memory_space<vmem>>) target(%dma_start3A_389 : memref<200x128xf32, #tpu.memory_space<hbm>>) target_semaphore(%run_scoped3A_385 : memref<!tpu.dma_semaphore, #tpu.memory_space<semaphore_mem>>)
      %dma_wait3A_390 = arith.constant 0 : i32
      %dma_wait3A_391 = tpu.memref_slice %arg4[%add3A_255, %dma_wait3A_390] : memref<204800x128xf32, #tpu.memory_space<hbm>> -> memref<200x128xf32, #tpu.memory_space<hbm>>
      %dma_wait3A_392 = arith.constant 0 : i32
      %dma_wait3A_393 = tpu.memref_slice %arg4[%add3A_255, %dma_wait3A_392] : memref<204800x128xf32, #tpu.memory_space<hbm>> -> memref<200x128xf32, #tpu.memory_space<hbm>>
      tpu.wait_dma2 semaphore(%run_scoped3A_385 : memref<!tpu.dma_semaphore, #tpu.memory_space<semaphore_mem>>) src(%arg9 : memref<200x128xf32, #tpu.memory_space<vmem>>) dst(%dma_wait3A_393 : memref<200x128xf32, #tpu.memory_space<hbm>>)
      tpu.yield
    }) : () -> ()
    %dma_start3A_256 = arith.constant 4600 : i32
    %dma_start3A_257 = tpu.memref_slice %arg5[%dma_start3A_256] : memref<6400xi32, #tpu.memory_space<vmem>> -> memref<200xi32, #tpu.memory_space<vmem>>
    %dma_start3A_258 = arith.constant 0 : i32
    %dma_start3A_259 = arith.constant 0 : i32
    %dma_start3A_260 = tpu.memref_slice %arg3[%dma_start3A_258, %dma_start3A_259] : memref<1000000x128xf32, #tpu.memory_space<hbm>> -> memref<1000000x128xf32, #tpu.memory_space<hbm>>
    tpu.enqueue_indirect_dma source(%dma_start3A_260 : memref<1000000x128xf32, #tpu.memory_space<hbm>>) target(%arg9 : memref<200x128xf32, #tpu.memory_space<vmem>>) offsets(%dma_start3A_257 : memref<200xi32, #tpu.memory_space<vmem>>) semaphore(%arg13 : memref<!tpu.dma_semaphore, #tpu.memory_space<semaphore_mem>>)
    %dma_wait3A_261 = arith.constant 4000 : i32
    %dma_wait3A_262 = tpu.memref_slice %arg5[%dma_wait3A_261] : memref<6400xi32, #tpu.memory_space<vmem>> -> memref<200xi32, #tpu.memory_space<vmem>>
    %dma_wait3A_263 = arith.constant 0 : i32
    %dma_wait3A_264 = arith.constant 0 : i32
    %dma_wait3A_265 = tpu.memref_slice %arg3[%dma_wait3A_263, %dma_wait3A_264] : memref<1000000x128xf32, #tpu.memory_space<hbm>> -> memref<1000000x128xf32, #tpu.memory_space<hbm>>
    tpu.wait_indirect_dma semaphore(%arg10 : memref<!tpu.dma_semaphore, #tpu.memory_space<semaphore_mem>>) src(%dma_wait3A_265 : memref<1000000x128xf32, #tpu.memory_space<hbm>>) dst(%arg6 : memref<200x128xf32, #tpu.memory_space<vmem>>)
    %add3A_266 = arith.constant 4000 : i32
    %add3A_267 = arith.addi %mul3A_2, %add3A_266 : i32
    "tpu.region"() ({
      %run_scoped3A_385 = tpu.sem_alloc : memref<!tpu.dma_semaphore, #tpu.memory_space<semaphore_mem>>
      %dma_start3A_386 = arith.constant 0 : i32
      %dma_start3A_387 = tpu.memref_slice %arg4[%add3A_267, %dma_start3A_386] : memref<204800x128xf32, #tpu.memory_space<hbm>> -> memref<200x128xf32, #tpu.memory_space<hbm>>
      %dma_start3A_388 = arith.constant 0 : i32
      %dma_start3A_389 = tpu.memref_slice %arg4[%add3A_267, %dma_start3A_388] : memref<204800x128xf32, #tpu.memory_space<hbm>> -> memref<200x128xf32, #tpu.memory_space<hbm>>
      tpu.enqueue_dma source(%arg6 : memref<200x128xf32, #tpu.memory_space<vmem>>) target(%dma_start3A_389 : memref<200x128xf32, #tpu.memory_space<hbm>>) target_semaphore(%run_scoped3A_385 : memref<!tpu.dma_semaphore, #tpu.memory_space<semaphore_mem>>)
      %dma_wait3A_390 = arith.constant 0 : i32
      %dma_wait3A_391 = tpu.memref_slice %arg4[%add3A_267, %dma_wait3A_390] : memref<204800x128xf32, #tpu.memory_space<hbm>> -> memref<200x128xf32, #tpu.memory_space<hbm>>
      %dma_wait3A_392 = arith.constant 0 : i32
      %dma_wait3A_393 = tpu.memref_slice %arg4[%add3A_267, %dma_wait3A_392] : memref<204800x128xf32, #tpu.memory_space<hbm>> -> memref<200x128xf32, #tpu.memory_space<hbm>>
      tpu.wait_dma2 semaphore(%run_scoped3A_385 : memref<!tpu.dma_semaphore, #tpu.memory_space<semaphore_mem>>) src(%arg6 : memref<200x128xf32, #tpu.memory_space<vmem>>) dst(%dma_wait3A_393 : memref<200x128xf32, #tpu.memory_space<hbm>>)
      tpu.yield
    }) : () -> ()
    %dma_start3A_268 = arith.constant 4800 : i32
    %dma_start3A_269 = tpu.memref_slice %arg5[%dma_start3A_268] : memref<6400xi32, #tpu.memory_space<vmem>> -> memref<200xi32, #tpu.memory_space<vmem>>
    %dma_start3A_270 = arith.constant 0 : i32
    %dma_start3A_271 = arith.constant 0 : i32
    %dma_start3A_272 = tpu.memref_slice %arg3[%dma_start3A_270, %dma_start3A_271] : memref<1000000x128xf32, #tpu.memory_space<hbm>> -> memref<1000000x128xf32, #tpu.memory_space<hbm>>
    tpu.enqueue_indirect_dma source(%dma_start3A_272 : memref<1000000x128xf32, #tpu.memory_space<hbm>>) target(%arg6 : memref<200x128xf32, #tpu.memory_space<vmem>>) offsets(%dma_start3A_269 : memref<200xi32, #tpu.memory_space<vmem>>) semaphore(%arg10 : memref<!tpu.dma_semaphore, #tpu.memory_space<semaphore_mem>>)
    %dma_wait3A_273 = arith.constant 4200 : i32
    %dma_wait3A_274 = tpu.memref_slice %arg5[%dma_wait3A_273] : memref<6400xi32, #tpu.memory_space<vmem>> -> memref<200xi32, #tpu.memory_space<vmem>>
    %dma_wait3A_275 = arith.constant 0 : i32
    %dma_wait3A_276 = arith.constant 0 : i32
    %dma_wait3A_277 = tpu.memref_slice %arg3[%dma_wait3A_275, %dma_wait3A_276] : memref<1000000x128xf32, #tpu.memory_space<hbm>> -> memref<1000000x128xf32, #tpu.memory_space<hbm>>
    tpu.wait_indirect_dma semaphore(%arg11 : memref<!tpu.dma_semaphore, #tpu.memory_space<semaphore_mem>>) src(%dma_wait3A_277 : memref<1000000x128xf32, #tpu.memory_space<hbm>>) dst(%arg7 : memref<200x128xf32, #tpu.memory_space<vmem>>)
    %add3A_278 = arith.constant 4200 : i32
    %add3A_279 = arith.addi %mul3A_2, %add3A_278 : i32
    "tpu.region"() ({
      %run_scoped3A_385 = tpu.sem_alloc : memref<!tpu.dma_semaphore, #tpu.memory_space<semaphore_mem>>
      %dma_start3A_386 = arith.constant 0 : i32
      %dma_start3A_387 = tpu.memref_slice %arg4[%add3A_279, %dma_start3A_386] : memref<204800x128xf32, #tpu.memory_space<hbm>> -> memref<200x128xf32, #tpu.memory_space<hbm>>
      %dma_start3A_388 = arith.constant 0 : i32
      %dma_start3A_389 = tpu.memref_slice %arg4[%add3A_279, %dma_start3A_388] : memref<204800x128xf32, #tpu.memory_space<hbm>> -> memref<200x128xf32, #tpu.memory_space<hbm>>
      tpu.enqueue_dma source(%arg7 : memref<200x128xf32, #tpu.memory_space<vmem>>) target(%dma_start3A_389 : memref<200x128xf32, #tpu.memory_space<hbm>>) target_semaphore(%run_scoped3A_385 : memref<!tpu.dma_semaphore, #tpu.memory_space<semaphore_mem>>)
      %dma_wait3A_390 = arith.constant 0 : i32
      %dma_wait3A_391 = tpu.memref_slice %arg4[%add3A_279, %dma_wait3A_390] : memref<204800x128xf32, #tpu.memory_space<hbm>> -> memref<200x128xf32, #tpu.memory_space<hbm>>
      %dma_wait3A_392 = arith.constant 0 : i32
      %dma_wait3A_393 = tpu.memref_slice %arg4[%add3A_279, %dma_wait3A_392] : memref<204800x128xf32, #tpu.memory_space<hbm>> -> memref<200x128xf32, #tpu.memory_space<hbm>>
      tpu.wait_dma2 semaphore(%run_scoped3A_385 : memref<!tpu.dma_semaphore, #tpu.memory_space<semaphore_mem>>) src(%arg7 : memref<200x128xf32, #tpu.memory_space<vmem>>) dst(%dma_wait3A_393 : memref<200x128xf32, #tpu.memory_space<hbm>>)
      tpu.yield
    }) : () -> ()
    %dma_start3A_280 = arith.constant 5000 : i32
    %dma_start3A_281 = tpu.memref_slice %arg5[%dma_start3A_280] : memref<6400xi32, #tpu.memory_space<vmem>> -> memref<200xi32, #tpu.memory_space<vmem>>
    %dma_start3A_282 = arith.constant 0 : i32
    %dma_start3A_283 = arith.constant 0 : i32
    %dma_start3A_284 = tpu.memref_slice %arg3[%dma_start3A_282, %dma_start3A_283] : memref<1000000x128xf32, #tpu.memory_space<hbm>> -> memref<1000000x128xf32, #tpu.memory_space<hbm>>
    tpu.enqueue_indirect_dma source(%dma_start3A_284 : memref<1000000x128xf32, #tpu.memory_space<hbm>>) target(%arg7 : memref<200x128xf32, #tpu.memory_space<vmem>>) offsets(%dma_start3A_281 : memref<200xi32, #tpu.memory_space<vmem>>) semaphore(%arg11 : memref<!tpu.dma_semaphore, #tpu.memory_space<semaphore_mem>>)
    %dma_wait3A_285 = arith.constant 4400 : i32
    %dma_wait3A_286 = tpu.memref_slice %arg5[%dma_wait3A_285] : memref<6400xi32, #tpu.memory_space<vmem>> -> memref<200xi32, #tpu.memory_space<vmem>>
    %dma_wait3A_287 = arith.constant 0 : i32
    %dma_wait3A_288 = arith.constant 0 : i32
    %dma_wait3A_289 = tpu.memref_slice %arg3[%dma_wait3A_287, %dma_wait3A_288] : memref<1000000x128xf32, #tpu.memory_space<hbm>> -> memref<1000000x128xf32, #tpu.memory_space<hbm>>
    tpu.wait_indirect_dma semaphore(%arg12 : memref<!tpu.dma_semaphore, #tpu.memory_space<semaphore_mem>>) src(%dma_wait3A_289 : memref<1000000x128xf32, #tpu.memory_space<hbm>>) dst(%arg8 : memref<200x128xf32, #tpu.memory_space<vmem>>)
    %add3A_290 = arith.constant 4400 : i32
    %add3A_291 = arith.addi %mul3A_2, %add3A_290 : i32
    "tpu.region"() ({
      %run_scoped3A_385 = tpu.sem_alloc : memref<!tpu.dma_semaphore, #tpu.memory_space<semaphore_mem>>
      %dma_start3A_386 = arith.constant 0 : i32
      %dma_start3A_387 = tpu.memref_slice %arg4[%add3A_291, %dma_start3A_386] : memref<204800x128xf32, #tpu.memory_space<hbm>> -> memref<200x128xf32, #tpu.memory_space<hbm>>
      %dma_start3A_388 = arith.constant 0 : i32
      %dma_start3A_389 = tpu.memref_slice %arg4[%add3A_291, %dma_start3A_388] : memref<204800x128xf32, #tpu.memory_space<hbm>> -> memref<200x128xf32, #tpu.memory_space<hbm>>
      tpu.enqueue_dma source(%arg8 : memref<200x128xf32, #tpu.memory_space<vmem>>) target(%dma_start3A_389 : memref<200x128xf32, #tpu.memory_space<hbm>>) target_semaphore(%run_scoped3A_385 : memref<!tpu.dma_semaphore, #tpu.memory_space<semaphore_mem>>)
      %dma_wait3A_390 = arith.constant 0 : i32
      %dma_wait3A_391 = tpu.memref_slice %arg4[%add3A_291, %dma_wait3A_390] : memref<204800x128xf32, #tpu.memory_space<hbm>> -> memref<200x128xf32, #tpu.memory_space<hbm>>
      %dma_wait3A_392 = arith.constant 0 : i32
      %dma_wait3A_393 = tpu.memref_slice %arg4[%add3A_291, %dma_wait3A_392] : memref<204800x128xf32, #tpu.memory_space<hbm>> -> memref<200x128xf32, #tpu.memory_space<hbm>>
      tpu.wait_dma2 semaphore(%run_scoped3A_385 : memref<!tpu.dma_semaphore, #tpu.memory_space<semaphore_mem>>) src(%arg8 : memref<200x128xf32, #tpu.memory_space<vmem>>) dst(%dma_wait3A_393 : memref<200x128xf32, #tpu.memory_space<hbm>>)
      tpu.yield
    }) : () -> ()
    %dma_start3A_292 = arith.constant 5200 : i32
    %dma_start3A_293 = tpu.memref_slice %arg5[%dma_start3A_292] : memref<6400xi32, #tpu.memory_space<vmem>> -> memref<200xi32, #tpu.memory_space<vmem>>
    %dma_start3A_294 = arith.constant 0 : i32
    %dma_start3A_295 = arith.constant 0 : i32
    %dma_start3A_296 = tpu.memref_slice %arg3[%dma_start3A_294, %dma_start3A_295] : memref<1000000x128xf32, #tpu.memory_space<hbm>> -> memref<1000000x128xf32, #tpu.memory_space<hbm>>
    tpu.enqueue_indirect_dma source(%dma_start3A_296 : memref<1000000x128xf32, #tpu.memory_space<hbm>>) target(%arg8 : memref<200x128xf32, #tpu.memory_space<vmem>>) offsets(%dma_start3A_293 : memref<200xi32, #tpu.memory_space<vmem>>) semaphore(%arg12 : memref<!tpu.dma_semaphore, #tpu.memory_space<semaphore_mem>>)
    %dma_wait3A_297 = arith.constant 4600 : i32
    %dma_wait3A_298 = tpu.memref_slice %arg5[%dma_wait3A_297] : memref<6400xi32, #tpu.memory_space<vmem>> -> memref<200xi32, #tpu.memory_space<vmem>>
    %dma_wait3A_299 = arith.constant 0 : i32
    %dma_wait3A_300 = arith.constant 0 : i32
    %dma_wait3A_301 = tpu.memref_slice %arg3[%dma_wait3A_299, %dma_wait3A_300] : memref<1000000x128xf32, #tpu.memory_space<hbm>> -> memref<1000000x128xf32, #tpu.memory_space<hbm>>
    tpu.wait_indirect_dma semaphore(%arg13 : memref<!tpu.dma_semaphore, #tpu.memory_space<semaphore_mem>>) src(%dma_wait3A_301 : memref<1000000x128xf32, #tpu.memory_space<hbm>>) dst(%arg9 : memref<200x128xf32, #tpu.memory_space<vmem>>)
    %add3A_302 = arith.constant 4600 : i32
    %add3A_303 = arith.addi %mul3A_2, %add3A_302 : i32
    "tpu.region"() ({
      %run_scoped3A_385 = tpu.sem_alloc : memref<!tpu.dma_semaphore, #tpu.memory_space<semaphore_mem>>
      %dma_start3A_386 = arith.constant 0 : i32
      %dma_start3A_387 = tpu.memref_slice %arg4[%add3A_303, %dma_start3A_386] : memref<204800x128xf32, #tpu.memory_space<hbm>> -> memref<200x128xf32, #tpu.memory_space<hbm>>
      %dma_start3A_388 = arith.constant 0 : i32
      %dma_start3A_389 = tpu.memref_slice %arg4[%add3A_303, %dma_start3A_388] : memref<204800x128xf32, #tpu.memory_space<hbm>> -> memref<200x128xf32, #tpu.memory_space<hbm>>
      tpu.enqueue_dma source(%arg9 : memref<200x128xf32, #tpu.memory_space<vmem>>) target(%dma_start3A_389 : memref<200x128xf32, #tpu.memory_space<hbm>>) target_semaphore(%run_scoped3A_385 : memref<!tpu.dma_semaphore, #tpu.memory_space<semaphore_mem>>)
      %dma_wait3A_390 = arith.constant 0 : i32
      %dma_wait3A_391 = tpu.memref_slice %arg4[%add3A_303, %dma_wait3A_390] : memref<204800x128xf32, #tpu.memory_space<hbm>> -> memref<200x128xf32, #tpu.memory_space<hbm>>
      %dma_wait3A_392 = arith.constant 0 : i32
      %dma_wait3A_393 = tpu.memref_slice %arg4[%add3A_303, %dma_wait3A_392] : memref<204800x128xf32, #tpu.memory_space<hbm>> -> memref<200x128xf32, #tpu.memory_space<hbm>>
      tpu.wait_dma2 semaphore(%run_scoped3A_385 : memref<!tpu.dma_semaphore, #tpu.memory_space<semaphore_mem>>) src(%arg9 : memref<200x128xf32, #tpu.memory_space<vmem>>) dst(%dma_wait3A_393 : memref<200x128xf32, #tpu.memory_space<hbm>>)
      tpu.yield
    }) : () -> ()
    %dma_start3A_304 = arith.constant 5400 : i32
    %dma_start3A_305 = tpu.memref_slice %arg5[%dma_start3A_304] : memref<6400xi32, #tpu.memory_space<vmem>> -> memref<200xi32, #tpu.memory_space<vmem>>
    %dma_start3A_306 = arith.constant 0 : i32
    %dma_start3A_307 = arith.constant 0 : i32
    %dma_start3A_308 = tpu.memref_slice %arg3[%dma_start3A_306, %dma_start3A_307] : memref<1000000x128xf32, #tpu.memory_space<hbm>> -> memref<1000000x128xf32, #tpu.memory_space<hbm>>
    tpu.enqueue_indirect_dma source(%dma_start3A_308 : memref<1000000x128xf32, #tpu.memory_space<hbm>>) target(%arg9 : memref<200x128xf32, #tpu.memory_space<vmem>>) offsets(%dma_start3A_305 : memref<200xi32, #tpu.memory_space<vmem>>) semaphore(%arg13 : memref<!tpu.dma_semaphore, #tpu.memory_space<semaphore_mem>>)
    %dma_wait3A_309 = arith.constant 4800 : i32
    %dma_wait3A_310 = tpu.memref_slice %arg5[%dma_wait3A_309] : memref<6400xi32, #tpu.memory_space<vmem>> -> memref<200xi32, #tpu.memory_space<vmem>>
    %dma_wait3A_311 = arith.constant 0 : i32
    %dma_wait3A_312 = arith.constant 0 : i32
    %dma_wait3A_313 = tpu.memref_slice %arg3[%dma_wait3A_311, %dma_wait3A_312] : memref<1000000x128xf32, #tpu.memory_space<hbm>> -> memref<1000000x128xf32, #tpu.memory_space<hbm>>
    tpu.wait_indirect_dma semaphore(%arg10 : memref<!tpu.dma_semaphore, #tpu.memory_space<semaphore_mem>>) src(%dma_wait3A_313 : memref<1000000x128xf32, #tpu.memory_space<hbm>>) dst(%arg6 : memref<200x128xf32, #tpu.memory_space<vmem>>)
    %add3A_314 = arith.constant 4800 : i32
    %add3A_315 = arith.addi %mul3A_2, %add3A_314 : i32
    "tpu.region"() ({
      %run_scoped3A_385 = tpu.sem_alloc : memref<!tpu.dma_semaphore, #tpu.memory_space<semaphore_mem>>
      %dma_start3A_386 = arith.constant 0 : i32
      %dma_start3A_387 = tpu.memref_slice %arg4[%add3A_315, %dma_start3A_386] : memref<204800x128xf32, #tpu.memory_space<hbm>> -> memref<200x128xf32, #tpu.memory_space<hbm>>
      %dma_start3A_388 = arith.constant 0 : i32
      %dma_start3A_389 = tpu.memref_slice %arg4[%add3A_315, %dma_start3A_388] : memref<204800x128xf32, #tpu.memory_space<hbm>> -> memref<200x128xf32, #tpu.memory_space<hbm>>
      tpu.enqueue_dma source(%arg6 : memref<200x128xf32, #tpu.memory_space<vmem>>) target(%dma_start3A_389 : memref<200x128xf32, #tpu.memory_space<hbm>>) target_semaphore(%run_scoped3A_385 : memref<!tpu.dma_semaphore, #tpu.memory_space<semaphore_mem>>)
      %dma_wait3A_390 = arith.constant 0 : i32
      %dma_wait3A_391 = tpu.memref_slice %arg4[%add3A_315, %dma_wait3A_390] : memref<204800x128xf32, #tpu.memory_space<hbm>> -> memref<200x128xf32, #tpu.memory_space<hbm>>
      %dma_wait3A_392 = arith.constant 0 : i32
      %dma_wait3A_393 = tpu.memref_slice %arg4[%add3A_315, %dma_wait3A_392] : memref<204800x128xf32, #tpu.memory_space<hbm>> -> memref<200x128xf32, #tpu.memory_space<hbm>>
      tpu.wait_dma2 semaphore(%run_scoped3A_385 : memref<!tpu.dma_semaphore, #tpu.memory_space<semaphore_mem>>) src(%arg6 : memref<200x128xf32, #tpu.memory_space<vmem>>) dst(%dma_wait3A_393 : memref<200x128xf32, #tpu.memory_space<hbm>>)
      tpu.yield
    }) : () -> ()
    %dma_start3A_316 = arith.constant 5600 : i32
    %dma_start3A_317 = tpu.memref_slice %arg5[%dma_start3A_316] : memref<6400xi32, #tpu.memory_space<vmem>> -> memref<200xi32, #tpu.memory_space<vmem>>
    %dma_start3A_318 = arith.constant 0 : i32
    %dma_start3A_319 = arith.constant 0 : i32
    %dma_start3A_320 = tpu.memref_slice %arg3[%dma_start3A_318, %dma_start3A_319] : memref<1000000x128xf32, #tpu.memory_space<hbm>> -> memref<1000000x128xf32, #tpu.memory_space<hbm>>
    tpu.enqueue_indirect_dma source(%dma_start3A_320 : memref<1000000x128xf32, #tpu.memory_space<hbm>>) target(%arg6 : memref<200x128xf32, #tpu.memory_space<vmem>>) offsets(%dma_start3A_317 : memref<200xi32, #tpu.memory_space<vmem>>) semaphore(%arg10 : memref<!tpu.dma_semaphore, #tpu.memory_space<semaphore_mem>>)
    %dma_wait3A_321 = arith.constant 5000 : i32
    %dma_wait3A_322 = tpu.memref_slice %arg5[%dma_wait3A_321] : memref<6400xi32, #tpu.memory_space<vmem>> -> memref<200xi32, #tpu.memory_space<vmem>>
    %dma_wait3A_323 = arith.constant 0 : i32
    %dma_wait3A_324 = arith.constant 0 : i32
    %dma_wait3A_325 = tpu.memref_slice %arg3[%dma_wait3A_323, %dma_wait3A_324] : memref<1000000x128xf32, #tpu.memory_space<hbm>> -> memref<1000000x128xf32, #tpu.memory_space<hbm>>
    tpu.wait_indirect_dma semaphore(%arg11 : memref<!tpu.dma_semaphore, #tpu.memory_space<semaphore_mem>>) src(%dma_wait3A_325 : memref<1000000x128xf32, #tpu.memory_space<hbm>>) dst(%arg7 : memref<200x128xf32, #tpu.memory_space<vmem>>)
    %add3A_326 = arith.constant 5000 : i32
    %add3A_327 = arith.addi %mul3A_2, %add3A_326 : i32
    "tpu.region"() ({
      %run_scoped3A_385 = tpu.sem_alloc : memref<!tpu.dma_semaphore, #tpu.memory_space<semaphore_mem>>
      %dma_start3A_386 = arith.constant 0 : i32
      %dma_start3A_387 = tpu.memref_slice %arg4[%add3A_327, %dma_start3A_386] : memref<204800x128xf32, #tpu.memory_space<hbm>> -> memref<200x128xf32, #tpu.memory_space<hbm>>
      %dma_start3A_388 = arith.constant 0 : i32
      %dma_start3A_389 = tpu.memref_slice %arg4[%add3A_327, %dma_start3A_388] : memref<204800x128xf32, #tpu.memory_space<hbm>> -> memref<200x128xf32, #tpu.memory_space<hbm>>
      tpu.enqueue_dma source(%arg7 : memref<200x128xf32, #tpu.memory_space<vmem>>) target(%dma_start3A_389 : memref<200x128xf32, #tpu.memory_space<hbm>>) target_semaphore(%run_scoped3A_385 : memref<!tpu.dma_semaphore, #tpu.memory_space<semaphore_mem>>)
      %dma_wait3A_390 = arith.constant 0 : i32
      %dma_wait3A_391 = tpu.memref_slice %arg4[%add3A_327, %dma_wait3A_390] : memref<204800x128xf32, #tpu.memory_space<hbm>> -> memref<200x128xf32, #tpu.memory_space<hbm>>
      %dma_wait3A_392 = arith.constant 0 : i32
      %dma_wait3A_393 = tpu.memref_slice %arg4[%add3A_327, %dma_wait3A_392] : memref<204800x128xf32, #tpu.memory_space<hbm>> -> memref<200x128xf32, #tpu.memory_space<hbm>>
      tpu.wait_dma2 semaphore(%run_scoped3A_385 : memref<!tpu.dma_semaphore, #tpu.memory_space<semaphore_mem>>) src(%arg7 : memref<200x128xf32, #tpu.memory_space<vmem>>) dst(%dma_wait3A_393 : memref<200x128xf32, #tpu.memory_space<hbm>>)
      tpu.yield
    }) : () -> ()
    %dma_start3A_328 = arith.constant 5800 : i32
    %dma_start3A_329 = tpu.memref_slice %arg5[%dma_start3A_328] : memref<6400xi32, #tpu.memory_space<vmem>> -> memref<200xi32, #tpu.memory_space<vmem>>
    %dma_start3A_330 = arith.constant 0 : i32
    %dma_start3A_331 = arith.constant 0 : i32
    %dma_start3A_332 = tpu.memref_slice %arg3[%dma_start3A_330, %dma_start3A_331] : memref<1000000x128xf32, #tpu.memory_space<hbm>> -> memref<1000000x128xf32, #tpu.memory_space<hbm>>
    tpu.enqueue_indirect_dma source(%dma_start3A_332 : memref<1000000x128xf32, #tpu.memory_space<hbm>>) target(%arg7 : memref<200x128xf32, #tpu.memory_space<vmem>>) offsets(%dma_start3A_329 : memref<200xi32, #tpu.memory_space<vmem>>) semaphore(%arg11 : memref<!tpu.dma_semaphore, #tpu.memory_space<semaphore_mem>>)
    %dma_wait3A_333 = arith.constant 5200 : i32
    %dma_wait3A_334 = tpu.memref_slice %arg5[%dma_wait3A_333] : memref<6400xi32, #tpu.memory_space<vmem>> -> memref<200xi32, #tpu.memory_space<vmem>>
    %dma_wait3A_335 = arith.constant 0 : i32
    %dma_wait3A_336 = arith.constant 0 : i32
    %dma_wait3A_337 = tpu.memref_slice %arg3[%dma_wait3A_335, %dma_wait3A_336] : memref<1000000x128xf32, #tpu.memory_space<hbm>> -> memref<1000000x128xf32, #tpu.memory_space<hbm>>
    tpu.wait_indirect_dma semaphore(%arg12 : memref<!tpu.dma_semaphore, #tpu.memory_space<semaphore_mem>>) src(%dma_wait3A_337 : memref<1000000x128xf32, #tpu.memory_space<hbm>>) dst(%arg8 : memref<200x128xf32, #tpu.memory_space<vmem>>)
    %add3A_338 = arith.constant 5200 : i32
    %add3A_339 = arith.addi %mul3A_2, %add3A_338 : i32
    "tpu.region"() ({
      %run_scoped3A_385 = tpu.sem_alloc : memref<!tpu.dma_semaphore, #tpu.memory_space<semaphore_mem>>
      %dma_start3A_386 = arith.constant 0 : i32
      %dma_start3A_387 = tpu.memref_slice %arg4[%add3A_339, %dma_start3A_386] : memref<204800x128xf32, #tpu.memory_space<hbm>> -> memref<200x128xf32, #tpu.memory_space<hbm>>
      %dma_start3A_388 = arith.constant 0 : i32
      %dma_start3A_389 = tpu.memref_slice %arg4[%add3A_339, %dma_start3A_388] : memref<204800x128xf32, #tpu.memory_space<hbm>> -> memref<200x128xf32, #tpu.memory_space<hbm>>
      tpu.enqueue_dma source(%arg8 : memref<200x128xf32, #tpu.memory_space<vmem>>) target(%dma_start3A_389 : memref<200x128xf32, #tpu.memory_space<hbm>>) target_semaphore(%run_scoped3A_385 : memref<!tpu.dma_semaphore, #tpu.memory_space<semaphore_mem>>)
      %dma_wait3A_390 = arith.constant 0 : i32
      %dma_wait3A_391 = tpu.memref_slice %arg4[%add3A_339, %dma_wait3A_390] : memref<204800x128xf32, #tpu.memory_space<hbm>> -> memref<200x128xf32, #tpu.memory_space<hbm>>
      %dma_wait3A_392 = arith.constant 0 : i32
      %dma_wait3A_393 = tpu.memref_slice %arg4[%add3A_339, %dma_wait3A_392] : memref<204800x128xf32, #tpu.memory_space<hbm>> -> memref<200x128xf32, #tpu.memory_space<hbm>>
      tpu.wait_dma2 semaphore(%run_scoped3A_385 : memref<!tpu.dma_semaphore, #tpu.memory_space<semaphore_mem>>) src(%arg8 : memref<200x128xf32, #tpu.memory_space<vmem>>) dst(%dma_wait3A_393 : memref<200x128xf32, #tpu.memory_space<hbm>>)
      tpu.yield
    }) : () -> ()
    %dma_start3A_340 = arith.constant 6000 : i32
    %dma_start3A_341 = tpu.memref_slice %arg5[%dma_start3A_340] : memref<6400xi32, #tpu.memory_space<vmem>> -> memref<200xi32, #tpu.memory_space<vmem>>
    %dma_start3A_342 = arith.constant 0 : i32
    %dma_start3A_343 = arith.constant 0 : i32
    %dma_start3A_344 = tpu.memref_slice %arg3[%dma_start3A_342, %dma_start3A_343] : memref<1000000x128xf32, #tpu.memory_space<hbm>> -> memref<1000000x128xf32, #tpu.memory_space<hbm>>
    tpu.enqueue_indirect_dma source(%dma_start3A_344 : memref<1000000x128xf32, #tpu.memory_space<hbm>>) target(%arg8 : memref<200x128xf32, #tpu.memory_space<vmem>>) offsets(%dma_start3A_341 : memref<200xi32, #tpu.memory_space<vmem>>) semaphore(%arg12 : memref<!tpu.dma_semaphore, #tpu.memory_space<semaphore_mem>>)
    %dma_wait3A_345 = arith.constant 5400 : i32
    %dma_wait3A_346 = tpu.memref_slice %arg5[%dma_wait3A_345] : memref<6400xi32, #tpu.memory_space<vmem>> -> memref<200xi32, #tpu.memory_space<vmem>>
    %dma_wait3A_347 = arith.constant 0 : i32
    %dma_wait3A_348 = arith.constant 0 : i32
    %dma_wait3A_349 = tpu.memref_slice %arg3[%dma_wait3A_347, %dma_wait3A_348] : memref<1000000x128xf32, #tpu.memory_space<hbm>> -> memref<1000000x128xf32, #tpu.memory_space<hbm>>
    tpu.wait_indirect_dma semaphore(%arg13 : memref<!tpu.dma_semaphore, #tpu.memory_space<semaphore_mem>>) src(%dma_wait3A_349 : memref<1000000x128xf32, #tpu.memory_space<hbm>>) dst(%arg9 : memref<200x128xf32, #tpu.memory_space<vmem>>)
    %add3A_350 = arith.constant 5400 : i32
    %add3A_351 = arith.addi %mul3A_2, %add3A_350 : i32
    "tpu.region"() ({
      %run_scoped3A_385 = tpu.sem_alloc : memref<!tpu.dma_semaphore, #tpu.memory_space<semaphore_mem>>
      %dma_start3A_386 = arith.constant 0 : i32
      %dma_start3A_387 = tpu.memref_slice %arg4[%add3A_351, %dma_start3A_386] : memref<204800x128xf32, #tpu.memory_space<hbm>> -> memref<200x128xf32, #tpu.memory_space<hbm>>
      %dma_start3A_388 = arith.constant 0 : i32
      %dma_start3A_389 = tpu.memref_slice %arg4[%add3A_351, %dma_start3A_388] : memref<204800x128xf32, #tpu.memory_space<hbm>> -> memref<200x128xf32, #tpu.memory_space<hbm>>
      tpu.enqueue_dma source(%arg9 : memref<200x128xf32, #tpu.memory_space<vmem>>) target(%dma_start3A_389 : memref<200x128xf32, #tpu.memory_space<hbm>>) target_semaphore(%run_scoped3A_385 : memref<!tpu.dma_semaphore, #tpu.memory_space<semaphore_mem>>)
      %dma_wait3A_390 = arith.constant 0 : i32
      %dma_wait3A_391 = tpu.memref_slice %arg4[%add3A_351, %dma_wait3A_390] : memref<204800x128xf32, #tpu.memory_space<hbm>> -> memref<200x128xf32, #tpu.memory_space<hbm>>
      %dma_wait3A_392 = arith.constant 0 : i32
      %dma_wait3A_393 = tpu.memref_slice %arg4[%add3A_351, %dma_wait3A_392] : memref<204800x128xf32, #tpu.memory_space<hbm>> -> memref<200x128xf32, #tpu.memory_space<hbm>>
      tpu.wait_dma2 semaphore(%run_scoped3A_385 : memref<!tpu.dma_semaphore, #tpu.memory_space<semaphore_mem>>) src(%arg9 : memref<200x128xf32, #tpu.memory_space<vmem>>) dst(%dma_wait3A_393 : memref<200x128xf32, #tpu.memory_space<hbm>>)
      tpu.yield
    }) : () -> ()
    %dma_start3A_352 = arith.constant 6200 : i32
    %dma_start3A_353 = tpu.memref_slice %arg5[%dma_start3A_352] : memref<6400xi32, #tpu.memory_space<vmem>> -> memref<200xi32, #tpu.memory_space<vmem>>
    %dma_start3A_354 = arith.constant 0 : i32
    %dma_start3A_355 = arith.constant 0 : i32
    %dma_start3A_356 = tpu.memref_slice %arg3[%dma_start3A_354, %dma_start3A_355] : memref<1000000x128xf32, #tpu.memory_space<hbm>> -> memref<1000000x128xf32, #tpu.memory_space<hbm>>
    tpu.enqueue_indirect_dma source(%dma_start3A_356 : memref<1000000x128xf32, #tpu.memory_space<hbm>>) target(%arg9 : memref<200x128xf32, #tpu.memory_space<vmem>>) offsets(%dma_start3A_353 : memref<200xi32, #tpu.memory_space<vmem>>) semaphore(%arg13 : memref<!tpu.dma_semaphore, #tpu.memory_space<semaphore_mem>>)
    %dma_wait3A_357 = arith.constant 5600 : i32
    %dma_wait3A_358 = tpu.memref_slice %arg5[%dma_wait3A_357] : memref<6400xi32, #tpu.memory_space<vmem>> -> memref<200xi32, #tpu.memory_space<vmem>>
    %dma_wait3A_359 = arith.constant 0 : i32
    %dma_wait3A_360 = arith.constant 0 : i32
    %dma_wait3A_361 = tpu.memref_slice %arg3[%dma_wait3A_359, %dma_wait3A_360] : memref<1000000x128xf32, #tpu.memory_space<hbm>> -> memref<1000000x128xf32, #tpu.memory_space<hbm>>
    tpu.wait_indirect_dma semaphore(%arg10 : memref<!tpu.dma_semaphore, #tpu.memory_space<semaphore_mem>>) src(%dma_wait3A_361 : memref<1000000x128xf32, #tpu.memory_space<hbm>>) dst(%arg6 : memref<200x128xf32, #tpu.memory_space<vmem>>)
    %add3A_362 = arith.constant 5600 : i32
    %add3A_363 = arith.addi %mul3A_2, %add3A_362 : i32
    "tpu.region"() ({
      %run_scoped3A_385 = tpu.sem_alloc : memref<!tpu.dma_semaphore, #tpu.memory_space<semaphore_mem>>
      %dma_start3A_386 = arith.constant 0 : i32
      %dma_start3A_387 = tpu.memref_slice %arg4[%add3A_363, %dma_start3A_386] : memref<204800x128xf32, #tpu.memory_space<hbm>> -> memref<200x128xf32, #tpu.memory_space<hbm>>
      %dma_start3A_388 = arith.constant 0 : i32
      %dma_start3A_389 = tpu.memref_slice %arg4[%add3A_363, %dma_start3A_388] : memref<204800x128xf32, #tpu.memory_space<hbm>> -> memref<200x128xf32, #tpu.memory_space<hbm>>
      tpu.enqueue_dma source(%arg6 : memref<200x128xf32, #tpu.memory_space<vmem>>) target(%dma_start3A_389 : memref<200x128xf32, #tpu.memory_space<hbm>>) target_semaphore(%run_scoped3A_385 : memref<!tpu.dma_semaphore, #tpu.memory_space<semaphore_mem>>)
      %dma_wait3A_390 = arith.constant 0 : i32
      %dma_wait3A_391 = tpu.memref_slice %arg4[%add3A_363, %dma_wait3A_390] : memref<204800x128xf32, #tpu.memory_space<hbm>> -> memref<200x128xf32, #tpu.memory_space<hbm>>
      %dma_wait3A_392 = arith.constant 0 : i32
      %dma_wait3A_393 = tpu.memref_slice %arg4[%add3A_363, %dma_wait3A_392] : memref<204800x128xf32, #tpu.memory_space<hbm>> -> memref<200x128xf32, #tpu.memory_space<hbm>>
      tpu.wait_dma2 semaphore(%run_scoped3A_385 : memref<!tpu.dma_semaphore, #tpu.memory_space<semaphore_mem>>) src(%arg6 : memref<200x128xf32, #tpu.memory_space<vmem>>) dst(%dma_wait3A_393 : memref<200x128xf32, #tpu.memory_space<hbm>>)
      tpu.yield
    }) : () -> ()
    %dma_wait3A_364 = arith.constant 5800 : i32
    %dma_wait3A_365 = tpu.memref_slice %arg5[%dma_wait3A_364] : memref<6400xi32, #tpu.memory_space<vmem>> -> memref<200xi32, #tpu.memory_space<vmem>>
    %dma_wait3A_366 = arith.constant 0 : i32
    %dma_wait3A_367 = arith.constant 0 : i32
    %dma_wait3A_368 = tpu.memref_slice %arg3[%dma_wait3A_366, %dma_wait3A_367] : memref<1000000x128xf32, #tpu.memory_space<hbm>> -> memref<1000000x128xf32, #tpu.memory_space<hbm>>
    tpu.wait_indirect_dma semaphore(%arg11 : memref<!tpu.dma_semaphore, #tpu.memory_space<semaphore_mem>>) src(%dma_wait3A_368 : memref<1000000x128xf32, #tpu.memory_space<hbm>>) dst(%arg7 : memref<200x128xf32, #tpu.memory_space<vmem>>)
    %add3A_369 = arith.constant 5800 : i32
    %add3A_370 = arith.addi %mul3A_2, %add3A_369 : i32
    "tpu.region"() ({
      %run_scoped3A_385 = tpu.sem_alloc : memref<!tpu.dma_semaphore, #tpu.memory_space<semaphore_mem>>
      %dma_start3A_386 = arith.constant 0 : i32
      %dma_start3A_387 = tpu.memref_slice %arg4[%add3A_370, %dma_start3A_386] : memref<204800x128xf32, #tpu.memory_space<hbm>> -> memref<200x128xf32, #tpu.memory_space<hbm>>
      %dma_start3A_388 = arith.constant 0 : i32
      %dma_start3A_389 = tpu.memref_slice %arg4[%add3A_370, %dma_start3A_388] : memref<204800x128xf32, #tpu.memory_space<hbm>> -> memref<200x128xf32, #tpu.memory_space<hbm>>
      tpu.enqueue_dma source(%arg7 : memref<200x128xf32, #tpu.memory_space<vmem>>) target(%dma_start3A_389 : memref<200x128xf32, #tpu.memory_space<hbm>>) target_semaphore(%run_scoped3A_385 : memref<!tpu.dma_semaphore, #tpu.memory_space<semaphore_mem>>)
      %dma_wait3A_390 = arith.constant 0 : i32
      %dma_wait3A_391 = tpu.memref_slice %arg4[%add3A_370, %dma_wait3A_390] : memref<204800x128xf32, #tpu.memory_space<hbm>> -> memref<200x128xf32, #tpu.memory_space<hbm>>
      %dma_wait3A_392 = arith.constant 0 : i32
      %dma_wait3A_393 = tpu.memref_slice %arg4[%add3A_370, %dma_wait3A_392] : memref<204800x128xf32, #tpu.memory_space<hbm>> -> memref<200x128xf32, #tpu.memory_space<hbm>>
      tpu.wait_dma2 semaphore(%run_scoped3A_385 : memref<!tpu.dma_semaphore, #tpu.memory_space<semaphore_mem>>) src(%arg7 : memref<200x128xf32, #tpu.memory_space<vmem>>) dst(%dma_wait3A_393 : memref<200x128xf32, #tpu.memory_space<hbm>>)
      tpu.yield
    }) : () -> ()
    %dma_wait3A_371 = arith.constant 6000 : i32
    %dma_wait3A_372 = tpu.memref_slice %arg5[%dma_wait3A_371] : memref<6400xi32, #tpu.memory_space<vmem>> -> memref<200xi32, #tpu.memory_space<vmem>>
    %dma_wait3A_373 = arith.constant 0 : i32
    %dma_wait3A_374 = arith.constant 0 : i32
    %dma_wait3A_375 = tpu.memref_slice %arg3[%dma_wait3A_373, %dma_wait3A_374] : memref<1000000x128xf32, #tpu.memory_space<hbm>> -> memref<1000000x128xf32, #tpu.memory_space<hbm>>
    tpu.wait_indirect_dma semaphore(%arg12 : memref<!tpu.dma_semaphore, #tpu.memory_space<semaphore_mem>>) src(%dma_wait3A_375 : memref<1000000x128xf32, #tpu.memory_space<hbm>>) dst(%arg8 : memref<200x128xf32, #tpu.memory_space<vmem>>)
    %add3A_376 = arith.constant 6000 : i32
    %add3A_377 = arith.addi %mul3A_2, %add3A_376 : i32
    "tpu.region"() ({
      %run_scoped3A_385 = tpu.sem_alloc : memref<!tpu.dma_semaphore, #tpu.memory_space<semaphore_mem>>
      %dma_start3A_386 = arith.constant 0 : i32
      %dma_start3A_387 = tpu.memref_slice %arg4[%add3A_377, %dma_start3A_386] : memref<204800x128xf32, #tpu.memory_space<hbm>> -> memref<200x128xf32, #tpu.memory_space<hbm>>
      %dma_start3A_388 = arith.constant 0 : i32
      %dma_start3A_389 = tpu.memref_slice %arg4[%add3A_377, %dma_start3A_388] : memref<204800x128xf32, #tpu.memory_space<hbm>> -> memref<200x128xf32, #tpu.memory_space<hbm>>
      tpu.enqueue_dma source(%arg8 : memref<200x128xf32, #tpu.memory_space<vmem>>) target(%dma_start3A_389 : memref<200x128xf32, #tpu.memory_space<hbm>>) target_semaphore(%run_scoped3A_385 : memref<!tpu.dma_semaphore, #tpu.memory_space<semaphore_mem>>)
      %dma_wait3A_390 = arith.constant 0 : i32
      %dma_wait3A_391 = tpu.memref_slice %arg4[%add3A_377, %dma_wait3A_390] : memref<204800x128xf32, #tpu.memory_space<hbm>> -> memref<200x128xf32, #tpu.memory_space<hbm>>
      %dma_wait3A_392 = arith.constant 0 : i32
      %dma_wait3A_393 = tpu.memref_slice %arg4[%add3A_377, %dma_wait3A_392] : memref<204800x128xf32, #tpu.memory_space<hbm>> -> memref<200x128xf32, #tpu.memory_space<hbm>>
      tpu.wait_dma2 semaphore(%run_scoped3A_385 : memref<!tpu.dma_semaphore, #tpu.memory_space<semaphore_mem>>) src(%arg8 : memref<200x128xf32, #tpu.memory_space<vmem>>) dst(%dma_wait3A_393 : memref<200x128xf32, #tpu.memory_space<hbm>>)
      tpu.yield
    }) : () -> ()
    %dma_wait3A_378 = arith.constant 6200 : i32
    %dma_wait3A_379 = tpu.memref_slice %arg5[%dma_wait3A_378] : memref<6400xi32, #tpu.memory_space<vmem>> -> memref<200xi32, #tpu.memory_space<vmem>>
    %dma_wait3A_380 = arith.constant 0 : i32
    %dma_wait3A_381 = arith.constant 0 : i32
    %dma_wait3A_382 = tpu.memref_slice %arg3[%dma_wait3A_380, %dma_wait3A_381] : memref<1000000x128xf32, #tpu.memory_space<hbm>> -> memref<1000000x128xf32, #tpu.memory_space<hbm>>
    tpu.wait_indirect_dma semaphore(%arg13 : memref<!tpu.dma_semaphore, #tpu.memory_space<semaphore_mem>>) src(%dma_wait3A_382 : memref<1000000x128xf32, #tpu.memory_space<hbm>>) dst(%arg9 : memref<200x128xf32, #tpu.memory_space<vmem>>)
    %add3A_383 = arith.constant 6200 : i32
    %add3A_384 = arith.addi %mul3A_2, %add3A_383 : i32
    "tpu.region"() ({
      %run_scoped3A_385 = tpu.sem_alloc : memref<!tpu.dma_semaphore, #tpu.memory_space<semaphore_mem>>
      %dma_start3A_386 = arith.constant 0 : i32
      %dma_start3A_387 = tpu.memref_slice %arg4[%add3A_384, %dma_start3A_386] : memref<204800x128xf32, #tpu.memory_space<hbm>> -> memref<200x128xf32, #tpu.memory_space<hbm>>
      %dma_start3A_388 = arith.constant 0 : i32
      %dma_start3A_389 = tpu.memref_slice %arg4[%add3A_384, %dma_start3A_388] : memref<204800x128xf32, #tpu.memory_space<hbm>> -> memref<200x128xf32, #tpu.memory_space<hbm>>
      tpu.enqueue_dma source(%arg9 : memref<200x128xf32, #tpu.memory_space<vmem>>) target(%dma_start3A_389 : memref<200x128xf32, #tpu.memory_space<hbm>>) target_semaphore(%run_scoped3A_385 : memref<!tpu.dma_semaphore, #tpu.memory_space<semaphore_mem>>)
      %dma_wait3A_390 = arith.constant 0 : i32
      %dma_wait3A_391 = tpu.memref_slice %arg4[%add3A_384, %dma_wait3A_390] : memref<204800x128xf32, #tpu.memory_space<hbm>> -> memref<200x128xf32, #tpu.memory_space<hbm>>
      %dma_wait3A_392 = arith.constant 0 : i32
      %dma_wait3A_393 = tpu.memref_slice %arg4[%add3A_384, %dma_wait3A_392] : memref<204800x128xf32, #tpu.memory_space<hbm>> -> memref<200x128xf32, #tpu.memory_space<hbm>>
      tpu.wait_dma2 semaphore(%run_scoped3A_385 : memref<!tpu.dma_semaphore, #tpu.memory_space<semaphore_mem>>) src(%arg9 : memref<200x128xf32, #tpu.memory_space<vmem>>) dst(%dma_wait3A_393 : memref<200x128xf32, #tpu.memory_space<hbm>>)
      tpu.yield
    }) : () -> ()
    return
  }
}

</mosaic_0001>

<sc_bundles>
// kernel: _embed.3.cloned.1.call-start
scs
__scs_entry_jumppad:
0x0: {  	(pc) =	sbr.rel $0x88, $3  }
0x1: {  	(tag) =	ssettag $0x0;
	lr =	simm.s32 $0x1  }
0x2: {  	[smem:$0x3F9F] =	sst lr;
	_ =	strace $0xD0000000  }
0x3: {  	_ = 	snop  }
0x4: {  	_ = 	snop  }
0x5: {  	_ = 	snop  }
0x6: {  	_ = 	snop  }
0x7: {  	_ = 	snop  }
__scs_overlays_trampoline_lowered:
0x8: {  	[smem:$0x3FAE] =	sst s0  }
0x9: {  	[smem:$0x3FAF] =	sst s1  }
0xa: {  	[smem:$0x3FB0] =	sst s2  }
0xb: {  	[smem:$0x3FB1] =	sst s3  }
0xc: {  	[smem:$0x3FB2] =	sst s4  }
0xd: {  	[smem:$0x3FB3] =	sst s5  }
0xe: {  	[smem:$0x3FB4] =	sst s6  }
0xf: {  	[smem:$0x3FB5] =	sst s7  }
0x10: {  	[smem:$0x3FB6] =	sst s8  }
0x11: {  	[smem:$0x3FB7] =	sst s9;
	s0 =	simm.s32 @!p0 $0x0  }
0x12: {  	s1 =	sld [smem:$0x3F9D];
	s0 =	simm.s32 @p0 $0x1  }
0x13: {  	[smem:$0x3FB8] =	sst s0;
	s0 =	simm.s32 @!p1 $0x0  }
0x14: {  	s2 =	sld [smem:$0x3F9C];
	s0 =	simm.s32 @p1 $0x1  }
0x15: {  	[smem:$0x3FB9] =	sst s0;
	s0 =	simm.s32 @!p2 $0x0  }
0x16: {  	s3 =	sld [smem:$0x3FDB];
	s0 =	simm.s32 @p2 $0x1  }
0x17: {  	s4 =	simm.s32 $0x1BF5;
	[smem:$0x3FBB] =	sst s0  }
0x18: {  	s0 =	sld [smem:$0x3F9E];
	_ =	swait.ge [sflag:s4], $0x0  }
0x19: {  	s7 =	sld [smem:$0x3F9F]  }
0x1a: {  	s8 =	sadd.s32 $0xFFFFE003, lr  }
0x1b: {  	s9 =	sadd.s32 $0xFFFFFEF7, lr;
	s5 =	simm.s32 $0xFFFFFFFF;
	p2 =	slt.u32 s8, $0xFFFFF086  }
0x1c: {  	p1 =	slt.u32 s9, $0xF7A;
	s5 =	simm.s32 @!p2 $0x0  }
0x1d: {  	s5 =	simm.s32 @p1 $0x1;
	p0 =	seq.s32 s7, s2  }
0x1e: {  	s7 =	smul.u32 @!p0 $0xF7A, s2;
	p2 =	seq.s32 @!p0 s5, $0x0  }
0x1f: {  	s9 =	smul.u32 $0xF7A, s1;
	s8 =	simm.s32 @!p0 $0x1BF5;
	p2 =	por !p2, p0  }
0x20: {  	[sflag:s8] =	ssyncset.s32 @!p0 $0xFFFFF086;
	s6 =	sadd.s32 @!p0 s3, s7;
	s7 =	simm.s32 @!p0 $0x108  }
0x21: {  	s3 =	sadd.s32 s3, s9;
	s6 =	sadd.s32 @!p0 $0x88, s6;
	s7 =	simm.s32 @p2 $0x1082  }
0x22: {  	[simem:s7], [sflag:s8] =	dma.local @!p0 [hbm:s6], $0xF7A  }
0x23: {  	s9 =	sor.u32 $0xD0000000, s2;
	s6 =	simm.s32 $0x108;
	_ =	swait.ge @!p0 [sflag:s8], $0x0  }
0x24: {  	s3 =	sadd.s32 $0x88, s3;
	s6 =	simm.s32 @!p1 $0x1082;
	[sflag:s4] =	ssyncset.s32 $0xFFFFF086  }
0x25: {  	[simem:s6], [sflag:s4] =	dma.local [hbm:s3], $0xF7A  }
0x26: {  	[smem:$0x3F9F] =	sst s1;
	(tag) =	ssettag s2;
	_ =	strace s9  }
0x27: {  	s1 =	sld [smem:$0x3FAF]  }
0x28: {  	s2 =	sld [smem:$0x3FB0]  }
0x29: {  	s4 =	sld [smem:$0x3FB2]  }
0x2a: {  	p0 =	seq.s32 s5, $0x0;
	s5 =	sld [smem:$0x3FB3]  }
0x2b: {  	s6 =	sld [smem:$0x3FB4]  }
0x2c: {  	s7 =	sld [smem:$0x3FB5]  }
0x2d: {  	s3 =	simm.s32 $0x108;
	s8 =	sld [smem:$0x3FB6]  }
0x2e: {  	s3 =	simm.s32 @!p0 $0x1082;
	s9 =	sld [smem:$0x3FB7]  }
0x2f: {  	lr =	sadd.s32 s0, s3;
	s0 =	sld [smem:$0x3FAE]  }
0x30: {  	s3 =	sld [smem:$0x3FB1]  }
0x31: {  	[smem:$0x3FBA] =	sst s10  }
0x32: {  	s10 =	sld [smem:$0x3FB8];
	_ =	sdelay $0x3  }
0x33: {  	p0 =	seq.s32 s10, $0x1;
	s10 =	sld [smem:$0x3FBA];
	_ =	sdelay $0x3  }
0x34: {  	[smem:$0x3FBA] =	sst s10  }
0x35: {  	s10 =	sld [smem:$0x3FB9];
	_ =	sdelay $0x3  }
0x36: {  	p1 =	seq.s32 s10, $0x1;
	s10 =	sld [smem:$0x3FBA];
	_ =	sdelay $0x3  }
0x37: {  	[smem:$0x3FBA] =	sst s10  }
0x38: {  	s10 =	sld [smem:$0x3FBB]  }
0x39: {  	_ = 	snop;
	(pc) =	sbr.ind lr, $3  }
0x3a: {  	_ = 	snop  }
0x3b: {  	_ = 	snop  }
0x3c: {  	p2 =	seq.s32 s10, $0x1;
	s10 =	sld [smem:$0x3FBA]  }
0x3d: {  	_ =	shalt  }
0x3e: {  	_ =	shalt  }
0x3f: {  	_ =	shalt  }
0x40: {  	_ =	shalt  }
0x41: {  	_ =	shalt  }
0x42: {  	_ =	shalt  }
0x43: {  	_ =	shalt  }
0x44: {  	_ =	shalt  }
0x45: {  	_ =	shalt  }
0x46: {  	_ =	shalt  }
0x47: {  	_ =	shalt  }
0x48: {  	_ =	shalt  }
0x49: {  	_ =	shalt  }
0x4a: {  	_ =	shalt  }
0x4b: {  	_ =	shalt  }
0x4c: {  	_ =	shalt  }
0x4d: {  	_ =	shalt  }
0x4e: {  	_ =	shalt  }
0x4f: {  	_ =	shalt  }
0x50: {  	_ =	shalt  }
0x51: {  	_ =	shalt  }
0x52: {  	_ =	shalt  }
0x53: {  	_ =	shalt  }
0x54: {  	_ =	shalt  }
0x55: {  	_ =	shalt  }
0x56: {  	_ =	shalt  }
0x57: {  	_ =	shalt  }
0x58: {  	_ =	shalt  }
0x59: {  	_ =	shalt  }
0x5a: {  	_ =	shalt  }
0x5b: {  	_ =	shalt  }
0x5c: {  	_ =	shalt  }
0x5d: {  	_ =	shalt  }
0x5e: {  	_ =	shalt  }
0x5f: {  	_ =	shalt  }
0x60: {  	_ =	shalt  }
0x61: {  	_ =	shalt  }
0x62: {  	_ =	shalt  }
0x63: {  	_ =	shalt  }
0x64: {  	_ =	shalt  }
0x65: {  	_ =	shalt  }
0x66: {  	_ =	shalt  }
0x67: {  	_ =	shalt  }
0x68: {  	_ =	shalt  }
0x69: {  	_ =	shalt  }
0x6a: {  	_ =	shalt  }
0x6b: {  	_ =	shalt  }
0x6c: {  	_ =	shalt  }
0x6d: {  	_ =	shalt  }
0x6e: {  	_ =	shalt  }
0x6f: {  	_ =	shalt  }
0x70: {  	_ =	shalt  }
0x71: {  	_ =	shalt  }
0x72: {  	_ =	shalt  }
0x73: {  	_ =	shalt  }
0x74: {  	_ =	shalt  }
0x75: {  	_ =	shalt  }
0x76: {  	_ =	shalt  }
0x77: {  	_ =	shalt  }
0x78: {  	_ =	shalt  }
0x79: {  	_ =	shalt  }
0x7a: {  	_ =	shalt  }
0x7b: {  	_ =	shalt  }
0x7c: {  	_ =	shalt  }
0x7d: {  	_ =	shalt  }
0x7e: {  	_ =	shalt  }
0x7f: {  	_ =	shalt  }
0x80: {  	_ =	shalt  }
0x81: {  	_ =	shalt  }
0x82: {  	_ =	shalt  }
0x83: {  	_ =	shalt  }
0x84: {  	_ =	shalt  }
0x85: {  	_ =	shalt  }
0x86: {  	_ =	shalt  }
0x87: {  	_ =	shalt  }
.Lfunc_end0:
.L_simem_size_0:
called_computation_lowered:
.L_overlay_start_0:
0x88: {  	s2 =	sld [smem:$0x3FD9]  }
0x89: {  	s3 =	sld [smem:$0x3FFE];
	_ =	sdelay $0x1  }
0x8a: {  	s1 =	srdreg.scid  }
0x8b: {  	s0 =	sand.u32 $0x1, s1  }
0x8c: {  	s18 =	sshll.u32 s0, $0xA;
	s2 =	sadd.s32 s3, s2  }
0x8d: {  	s2 =	sadd.s32 s2, s18  }
0x8e: {  	[smem:$0x3FC6] =	sst s2  }
0x8f: {  	_ = 	snop  }
0x90: {  	s2 =	sld [smem:$0x3FC9]  }
0x91: {  	s19 =	sld [smem:$0x3FC8]  }
0x92: {  	s4 =	sld [smem:$0x3FD0];
	(tm) =	ssettm $0x1  }
0x93: {  	s5 =	sld [smem:$0x3FFB];
	_ =	sdelay $0x3  }
0x94: {  	_ =	strace s5  }
0x95: {  	s5 =	sld [smem:$0x3FFC];
	_ =	sdelay $0x3  }
0x96: {  	_ =	strace s5  }
0x97: {  	s5 =	sld [smem:$0x3FFD];
	_ =	sdelay $0x3  }
0x98: {  	_ =	strace s5  }
0x99: {  	_ =	strace $0x8FFFFFFF  }
0x9a: {  	s20 =	sld [smem:$0x3FDB];
	_ =	sdelay $0x1  }
0x9b: {  	s6 =	simm.s32 $_scs_section_size  }
0x9c: {  	s7 =	simm.s32 $_size__tile_overlayer_lowered;
	s8 =	simm.s32 $_tile_overlayer_lowered  }
0x9d: {  	s23 =	simm.s32 $0x1BFF;
	s22 =	sshll.u32 s8, $0x1;
	s5 =	sadd.s32 s6, s20  }
0x9e: {  	s9 =	simm.s32 $0x0;
	s21 =	sshll.u32 s7, $0x1;
	s7 =	sadd.s32 s22, s5  }
0x9f: {  	[timem:s9], [sflag:s23] =	dma.local [hbm:s7], s21  }
0xa0: {  	_ =	swait.ge [sflag:s23], s21  }
0xa1: {  	s6 =	ssub.s32 $0x0, s21;
	[sflag:s23] =	ssyncset.done $0x0  }
0xa2: {  	[sflag:s23] =	ssyncadd.s32 s6;
	_ =	sdelay $0x1  }
0xa3: {  	s24 =	simm.s32 $0x1B8B  }
0xa4: {  	_ =	swait.ge [sflag:s24], $0x1  }
0xa5: {  	[sflag:s24] =	ssyncset.done $0x0  }
0xa6: {  	s25 =	simm.s32 $0x1B8E;
	[sflag:s24] =	ssyncadd.s32 $0xFFFFFFFF  }
0xa7: {  	s26 =	simm.s32 $execute0_lowered;
	[smem:$0x3FD2] =	sst s25  }
0xa8: {  	s6 =	sshll.u32 s26, $0x1;
	_ =	strace $0x80000046;
	[dreg:$0x1] =	wrdreg $0xFFFFFFFF  }
0xa9: {  	s28 =	simm.s32 $_size_execute0_lowered;
	s5 =	sadd.s32 s5, s6;
	[dreg:$0x0] =	wrdreg $0x0  }
0xaa: {  	s6 =	sshll.u32 s28, $0x1;
	[dreg:$0x2] =	wrdreg s5  }
0xab: {  	[dreg:$0x3] =	wrdreg s6  }
0xac: {  	[dreg:$0x4] =	wrdreg $0xC0  }
0xad: {  	_ =	task [dreg:s9], $0x5FFFF  }
0xae: {  	[dreg:$0x1] =	wrdreg $0xFFFFFFFF  }
0xaf: {  	[dreg:$0x0] =	wrdreg $0x60  }
0xb0: {  	[dreg:$0x2] =	wrdreg s2  }
0xb1: {  	[dreg:$0x3] =	wrdreg s19  }
0xb2: {  	[dreg:$0x4] =	wrdreg s4  }
0xb3: {  	[dreg:$0x5] =	wrdreg $0x9  }
0xb4: {  	_ =	task.clear_ibuf [dreg:s9], $0x6FFFF;
	_ =	strace $0x90000046  }
0xb5: {  	s29 =	simm.s32 $0x9;
	_ =	strace $0x80000048  }
0xb6: {  	_ =	swait.ge [sflag:s29], $0x1  }
0xb7: {  	[sflag:s29] =	ssyncadd.s32 $0xFFFFFFFF  }
0xb8: {  	_ =	strace $0x90000048  }
0xb9: {  	_ =	sfence  }
0xba: {  	s30 =	sld [smem:$0x0];
	_ =	sdelay $0x2  }
0xbb: {  	s31 =	sshll.u32 s1, $0xD;
	s1 =	sshrl.u32 s1, $0x2  }
0xbc: {  	s3 =	sand.u32 $0x4000, s31;
	s1 =	sadd.s32 s1, s30  }
0xbd: {  	s0 =	sor.u32 s3, s0;
	s1 =	sshll.u32 s1, $0x11  }
0xbe: {  	s0 =	sor.u32 s1, s0  }
0xbf: {  	s0 =	sadd.s32 $0x8F2B, s0  }
0xc0: {  	[sflag:s0] =	ssyncadd.remote.s32 $0x1  }
0xc1: {  	_ =	sfence.sel $0xFFFF  }
0xc2: {  	[dreg:$0x0] =	wrdreg $0xFFFFFFFF;
	(pc) =	sbr.abs _section_cstart, $3  }
0xc3: {  	[dreg:$0x1] =	wrdreg $0xFFFFFFFF  }
0xc4: {  	_ =	task.clear_ibuf [dreg:s9], $0x2FFFF;
	_ =	strace $0x9FFFFFFF  }
0xc5: {  	(tm) =	ssettm $0x7FFFFFFF  }
tec
execute0_lowered:
.L_overlay_start_1:
0x0: {  	(tag) =	ssettag $0x1  }
0x1: {  	s0 =	srdreg.scid;
	s14 =	stileid.u32  }
0x2: {  	s1 =	sand.u32 $0x1, s0;
	s23 =	sshll.u32 s14, $0x1  }
0x3: {  	s0 =	sor.u32 s1, s23  }
0x4: {  	s4 =	rddreg [dreg:$0x0];
	s6 =	smul.u32 $0x320, s0  }
0x5: {  	s3 =	rddreg [dreg:$0x1];
	s2 =	simm.s32 $0x0;
	s7 =	smul.u32 $0x19000, s0  }
0x6: {  	[smem:$0x7FF] =	sst s2;
	s0 =	smul.u32 $0xC8000, s0  }
0x7: {  	s5 =	rddreg [dreg:$0x2];
	_ =	strace $0x80000047  }
0x8: {  	s4 =	sadd.s32 s4, s6;
	s31 =	sadd.s32 s5, s7;
	s0 =	sshrl.u32 s0, $0x3  }
0x9: {  	[dreg:$0x4] =	wrdreg s4;
	s24 =	sadd.s32 $0xC80, s31;
	s0 =	sadd.s32 s5, s0  }
0xa: {  	[dreg:$0x5] =	wrdreg s24;
	s25 =	sadd.s32 $0x1900, s0  }
0xb: {  	s26 =	sadd.s32 $0x2580, s0;
	[dreg:$0x6] =	wrdreg s25  }
0xc: {  	s5 =	sadd.s32 $0x3200, s0;
	[dreg:$0x7] =	wrdreg s26  }
0xd: {  	s6 =	sadd.s32 $0x3E80, s0;
	[dreg:$0x8] =	wrdreg s5  }
0xe: {  	s7 =	sadd.s32 $0x4B00, s0;
	[dreg:$0x9] =	wrdreg s6  }
0xf: {  	s8 =	sadd.s32 $0x5780, s0;
	[dreg:$0xa] =	wrdreg s7  }
0x10: {  	s9 =	sadd.s32 $0x6400, s0;
	[dreg:$0xb] =	wrdreg s8  }
0x11: {  	s10 =	sadd.s32 $0x7080, s0;
	[dreg:$0xc] =	wrdreg s9  }
0x12: {  	s11 =	sadd.s32 $0x7D00, s0;
	[dreg:$0xd] =	wrdreg s10  }
0x13: {  	s12 =	sadd.s32 $0x8980, s0;
	[dreg:$0xe] =	wrdreg s11  }
0x14: {  	s13 =	sadd.s32 $0x9600, s0;
	[dreg:$0xf] =	wrdreg s12  }
0x15: {  	s15 =	sadd.s32 $0xA280, s0;
	[dreg:$0x10] =	wrdreg s13  }
0x16: {  	s16 =	sadd.s32 $0xAF00, s0;
	[dreg:$0x11] =	wrdreg s15  }
0x17: {  	s17 =	sadd.s32 $0xBB80, s0;
	[dreg:$0x12] =	wrdreg s16  }
0x18: {  	s18 =	sadd.s32 $0xC800, s0;
	[dreg:$0x13] =	wrdreg s17  }
0x19: {  	s19 =	sadd.s32 $0xD480, s0;
	[dreg:$0x14] =	wrdreg s18  }
0x1a: {  	s20 =	sadd.s32 $0xE100, s0;
	[dreg:$0x15] =	wrdreg s19  }
0x1b: {  	s21 =	sadd.s32 $0xED80, s0;
	[dreg:$0x16] =	wrdreg s20  }
0x1c: {  	s22 =	sadd.s32 $0xFA00, s0;
	[dreg:$0x17] =	wrdreg s21  }
0x1d: {  	s23 =	sadd.s32 $0x10680, s0;
	[dreg:$0x18] =	wrdreg s22  }
0x1e: {  	s24 =	sadd.s32 $0x11300, s0;
	[dreg:$0x19] =	wrdreg s23  }
0x1f: {  	[dreg:$0x1a] =	wrdreg s24;
	s25 =	sadd.s32 $0x11F80, s0  }
0x20: {  	s26 =	sadd.s32 $0x12C00, s0;
	[dreg:$0x1b] =	wrdreg s25  }
0x21: {  	s5 =	sadd.s32 $0x13880, s0;
	[dreg:$0x1c] =	wrdreg s26  }
0x22: {  	s6 =	sadd.s32 $0x14500, s0;
	[dreg:$0x1d] =	wrdreg s5  }
0x23: {  	s7 =	sadd.s32 $0x15180, s0;
	[dreg:$0x1e] =	wrdreg s6  }
0x24: {  	s8 =	sadd.s32 $0x15E00, s0;
	[dreg:$0x1f] =	wrdreg s7  }
0x25: {  	s30 =	simm.s32 $0xD48;
	s9 =	sadd.s32 $0x16A80, s0;
	[smem:$0x7EC] =	sst s8  }
0x26: {  	s29 =	simm.s32 $0xE10;
	s10 =	sadd.s32 $0x17700, s0;
	[smem:$0x7ED] =	sst s9  }
0x27: {  	s28 =	simm.s32 $0xED8;
	s0 =	sadd.s32 $0x18380, s0;
	[smem:$0x7EE] =	sst s10  }
0x28: {  	p0 =	por $0x0, $0x0;
	s11 =	simm.s32 $0x190;
	[smem:$0x7EF] =	sst s0  }
0x29: {  	s1 =	ssub.s32 $0x2, s1;
	s13 =	simm.s32 $0x258;
	[smem:$0x7F0] =	sst s11  }
0x2a: {  	s4 =	simm.s32 $0x5;
	s15 =	simm.s32 $0x320;
	[smem:$0x7F1] =	sst s13  }
0x2b: {  	s12 =	sshrl.u32 s1, $0x1;
	s16 =	simm.s32 $0x3E8;
	[smem:$0x7F2] =	sst s15  }
0x2c: {  	s17 =	simm.s32 $0x4B0;
	s18 =	simm.s32 $0x578;
	[smem:$0x7F3] =	sst s16  }
0x2d: {  	s19 =	simm.s32 $0x640;
	s20 =	simm.s32 $0x708;
	[smem:$0x7F4] =	sst s17  }
0x2e: {  	s21 =	simm.s32 $0x7D0;
	s22 =	simm.s32 $0x898;
	[smem:$0x7F5] =	sst s18  }
0x2f: {  	s23 =	simm.s32 $0x960;
	s24 =	simm.s32 $0xA28;
	[smem:$0x7F6] =	sst s19  }
0x30: {  	s1 =	ssub.s32 s1, s12;
	s10 =	simm.s32 $0xC8;
	[smem:$0x7F7] =	sst s20  }
0x31: {  	s9 =	simm.s32 $0x1900;
	s7 =	simm.s32 $0x7D00;
	[smem:$0x7F8] =	sst s21  }
0x32: {  	s6 =	simm.s32 $0xE100;
	s5 =	simm.s32 $0x14500;
	[smem:$0x7F9] =	sst s22  }
0x33: {  	s13 =	simm.s32 $0x1;
	s12 =	simm.s32 $0x2;
	[smem:$0x7FA] =	sst s23  }
0x34: {  	s11 =	simm.s32 $0x3;
	[smem:$0x7FB] =	sst s24;
	s25 =	simm.s32 $0xAF0  }
0x35: {  	s8 =	simm.s32 $0x4;
	s26 =	simm.s32 $0xBB8;
	s1 =	smax.u32 s1, $0x1  }
0x36: {  	s24 =	simm.s32 $0x1130;
	s23 =	simm.s32 $0x11F8;
	p1 =	sne.s32 s1, $0x1  }
.Ltmp0:
0x37: {  	s22 =	simm.s32 $0x12C0;
	s21 =	simm.s32 $0x1388;
	(pc) =	sbr.rel @!p1 .LBB2_1-.Ltmp0, $4  }
0x38: {  	s20 =	simm.s32 $0x1450;
	s19 =	simm.s32 $0x1518;
	s0 =	rddreg [dreg:$0x4]  }
0x39: {  	s18 =	simm.s32 $0x15E0;
	s17 =	simm.s32 $0x16A8;
	[smem:$0x7FC] =	sst s25  }
0x3a: {  	s16 =	simm.s32 $0x1770;
	s15 =	simm.s32 $0x1838;
	[smem:$0x7FD] =	sst s26  }
0x3b: {  	s26 =	simm.s32 $0xFA0;
	s25 =	simm.s32 $0x1068;
	s1 =	sadd.s32 $0xFFFFFFFF, s1  }
0x3c: {  	[tilespmem:s2], [sflag:$0x5] =	stream.linear.gather [hbm4b:s0+s2], $0x1900, $0x38;
	[tilespmem:$0x1A900] =	vst v63  }
0x3d: {  	_ =	swait.ge [sflag:s4], $0x1900  }
0x3e: {  	[sflag:s4] =	ssyncset.done $0x0  }
0x3f: {  	[sflag:s4] =	ssyncadd.s32 $0xFFFFE700  }
0x40: {  	[tilespmem:s9], [sflag:$0x1] =	stream.indirect.gather [hbm4b:s3+s10], $0x80, s2, s10, $0xb8;
	[tilespmem:$0x1A900] =	vst v63  }
0x41: {  	s0 =	sld [smem:$0x7F0]  }
0x42: {  	[tilespmem:s7], [sflag:$0x2] =	stream.indirect.gather [hbm4b:s3+s10], $0x80, s10, s10, $0xb8;
	[tilespmem:$0x1A900] =	vst v63  }
0x43: {  	s14 =	smov.u32 s1;
	s1 =	sld [smem:$0x7F1]  }
0x44: {  	[tilespmem:s6], [sflag:$0x3] =	stream.indirect.gather [hbm4b:s3+s10], $0x80, s0, s10, $0xb8;
	[tilespmem:$0x1A900] =	vst v63  }
0x45: {  	_ = 	snop  }
0x46: {  	[tilespmem:s5], [sflag:$0x4] =	stream.indirect.gather [hbm4b:s3+s10], $0x80, s1, s10, $0xb8;
	[tilespmem:$0x1A900] =	vst v63  }
0x47: {  	_ =	swait.ge [sflag:s13], $0x6400  }
0x48: {  	[sflag:s13] =	ssyncset.done $0x0  }
0x49: {  	[sflag:s13] =	ssyncadd.s32 $0xFFFF9C00  }
0x4a: {  	[hbm4b:s31+s2] =	stream.linear.scatter [tilespmem:s9], [sflag:$0x5], $0x6400, $0x38;
	[tilespmem:$0x1A900] =	vst v63  }
0x4b: {  	_ =	swait.ge [sflag:s4], $0x6400  }
0x4c: {  	s1 =	sld [smem:$0x7F2]  }
0x4d: {  	[sflag:s4] =	ssyncset.done $0x0  }
0x4e: {  	[sflag:s4] =	ssyncadd.s32 $0xFFFF9C00  }
0x4f: {  	[tilespmem:s9], [sflag:$0x1] =	stream.indirect.gather [hbm4b:s3+s10], $0x80, s1, s10, $0xb8;
	[tilespmem:$0x1A900] =	vst v63  }
0x50: {  	_ =	swait.ge [sflag:s12], $0x6400  }
0x51: {  	[sflag:s12] =	ssyncset.done $0x0  }
0x52: {  	s1 =	rddreg [dreg:$0x5];
	[sflag:s12] =	ssyncadd.s32 $0xFFFF9C00  }
0x53: {  	[hbm4b:s1+s2] =	stream.linear.scatter [tilespmem:s7], [sflag:$0x5], $0x6400, $0x38;
	[tilespmem:$0x1A900] =	vst v63  }
0x54: {  	_ =	swait.ge [sflag:s4], $0x6400  }
0x55: {  	s1 =	sld [smem:$0x7F3]  }
0x56: {  	[sflag:s4] =	ssyncset.done $0x0  }
0x57: {  	[sflag:s4] =	ssyncadd.s32 $0xFFFF9C00  }
0x58: {  	[tilespmem:s7], [sflag:$0x2] =	stream.indirect.gather [hbm4b:s3+s10], $0x80, s1, s10, $0xb8;
	[tilespmem:$0x1A900] =	vst v63  }
0x59: {  	_ =	swait.ge [sflag:s11], $0x6400  }
0x5a: {  	[sflag:s11] =	ssyncset.done $0x0  }
0x5b: {  	s1 =	rddreg [dreg:$0x6];
	[sflag:s11] =	ssyncadd.s32 $0xFFFF9C00  }
0x5c: {  	[hbm4b:s1+s2] =	stream.linear.scatter [tilespmem:s6], [sflag:$0x5], $0x6400, $0x38;
	[tilespmem:$0x1A900] =	vst v63  }
0x5d: {  	_ =	swait.ge [sflag:s4], $0x6400  }
0x5e: {  	s1 =	sld [smem:$0x7F4]  }
0x5f: {  	[sflag:s4] =	ssyncset.done $0x0  }
0x60: {  	[sflag:s4] =	ssyncadd.s32 $0xFFFF9C00  }
0x61: {  	[tilespmem:s6], [sflag:$0x3] =	stream.indirect.gather [hbm4b:s3+s10], $0x80, s1, s10, $0xb8;
	[tilespmem:$0x1A900] =	vst v63  }
0x62: {  	_ =	swait.ge [sflag:s8], $0x6400  }
0x63: {  	[sflag:s8] =	ssyncset.done $0x0  }
0x64: {  	s1 =	rddreg [dreg:$0x7];
	[sflag:s8] =	ssyncadd.s32 $0xFFFF9C00  }
0x65: {  	[hbm4b:s1+s2] =	stream.linear.scatter [tilespmem:s5], [sflag:$0x5], $0x6400, $0x38;
	[tilespmem:$0x1A900] =	vst v63  }
0x66: {  	_ =	swait.ge [sflag:s4], $0x6400  }
0x67: {  	s1 =	sld [smem:$0x7F5]  }
0x68: {  	[sflag:s4] =	ssyncset.done $0x0  }
0x69: {  	[sflag:s4] =	ssyncadd.s32 $0xFFFF9C00  }
0x6a: {  	[tilespmem:s5], [sflag:$0x4] =	stream.indirect.gather [hbm4b:s3+s10], $0x80, s1, s10, $0xb8;
	[tilespmem:$0x1A900] =	vst v63  }
0x6b: {  	_ =	swait.ge [sflag:s13], $0x6400  }
0x6c: {  	[sflag:s13] =	ssyncset.done $0x0  }
0x6d: {  	s1 =	rddreg [dreg:$0x8];
	[sflag:s13] =	ssyncadd.s32 $0xFFFF9C00  }
0x6e: {  	[hbm4b:s1+s2] =	stream.linear.scatter [tilespmem:s9], [sflag:$0x5], $0x6400, $0x38;
	[tilespmem:$0x1A900] =	vst v63  }
0x6f: {  	_ =	swait.ge [sflag:s4], $0x6400  }
0x70: {  	s1 =	sld [smem:$0x7F6]  }
0x71: {  	[sflag:s4] =	ssyncset.done $0x0  }
0x72: {  	[sflag:s4] =	ssyncadd.s32 $0xFFFF9C00  }
0x73: {  	[tilespmem:s9], [sflag:$0x1] =	stream.indirect.gather [hbm4b:s3+s10], $0x80, s1, s10, $0xb8;
	[tilespmem:$0x1A900] =	vst v63  }
0x74: {  	_ =	swait.ge [sflag:s12], $0x6400  }
0x75: {  	[sflag:s12] =	ssyncset.done $0x0  }
0x76: {  	s1 =	rddreg [dreg:$0x9];
	[sflag:s12] =	ssyncadd.s32 $0xFFFF9C00  }
0x77: {  	[hbm4b:s1+s2] =	stream.linear.scatter [tilespmem:s7], [sflag:$0x5], $0x6400, $0x38;
	[tilespmem:$0x1A900] =	vst v63  }
0x78: {  	_ =	swait.ge [sflag:s4], $0x6400  }
0x79: {  	s1 =	sld [smem:$0x7F7]  }
0x7a: {  	[sflag:s4] =	ssyncset.done $0x0  }
0x7b: {  	[sflag:s4] =	ssyncadd.s32 $0xFFFF9C00  }
0x7c: {  	[tilespmem:s7], [sflag:$0x2] =	stream.indirect.gather [hbm4b:s3+s10], $0x80, s1, s10, $0xb8;
	[tilespmem:$0x1A900] =	vst v63  }
0x7d: {  	_ =	swait.ge [sflag:s11], $0x6400  }
0x7e: {  	[sflag:s11] =	ssyncset.done $0x0  }
0x7f: {  	s1 =	rddreg [dreg:$0xa];
	[sflag:s11] =	ssyncadd.s32 $0xFFFF9C00  }
0x80: {  	[hbm4b:s1+s2] =	stream.linear.scatter [tilespmem:s6], [sflag:$0x5], $0x6400, $0x38;
	[tilespmem:$0x1A900] =	vst v63  }
0x81: {  	_ =	swait.ge [sflag:s4], $0x6400  }
0x82: {  	s1 =	sld [smem:$0x7F8]  }
0x83: {  	[sflag:s4] =	ssyncset.done $0x0  }
0x84: {  	[sflag:s4] =	ssyncadd.s32 $0xFFFF9C00  }
0x85: {  	[tilespmem:s6], [sflag:$0x3] =	stream.indirect.gather [hbm4b:s3+s10], $0x80, s1, s10, $0xb8;
	[tilespmem:$0x1A900] =	vst v63  }
0x86: {  	_ =	swait.ge [sflag:s8], $0x6400  }
0x87: {  	[sflag:s8] =	ssyncset.done $0x0  }
0x88: {  	s1 =	rddreg [dreg:$0xb];
	[sflag:s8] =	ssyncadd.s32 $0xFFFF9C00  }
0x89: {  	[hbm4b:s1+s2] =	stream.linear.scatter [tilespmem:s5], [sflag:$0x5], $0x6400, $0x38;
	[tilespmem:$0x1A900] =	vst v63  }
0x8a: {  	_ =	swait.ge [sflag:s4], $0x6400  }
0x8b: {  	s1 =	sld [smem:$0x7F9]  }
0x8c: {  	[sflag:s4] =	ssyncset.done $0x0  }
0x8d: {  	[sflag:s4] =	ssyncadd.s32 $0xFFFF9C00  }
0x8e: {  	[tilespmem:s5], [sflag:$0x4] =	stream.indirect.gather [hbm4b:s3+s10], $0x80, s1, s10, $0xb8;
	[tilespmem:$0x1A900] =	vst v63  }
0x8f: {  	_ =	swait.ge [sflag:s13], $0x6400  }
0x90: {  	[sflag:s13] =	ssyncset.done $0x0  }
0x91: {  	s1 =	rddreg [dreg:$0xc];
	[sflag:s13] =	ssyncadd.s32 $0xFFFF9C00  }
0x92: {  	[hbm4b:s1+s2] =	stream.linear.scatter [tilespmem:s9], [sflag:$0x5], $0x6400, $0x38;
	[tilespmem:$0x1A900] =	vst v63  }
0x93: {  	_ =	swait.ge [sflag:s4], $0x6400  }
0x94: {  	s1 =	sld [smem:$0x7FA]  }
0x95: {  	[sflag:s4] =	ssyncset.done $0x0  }
0x96: {  	[sflag:s4] =	ssyncadd.s32 $0xFFFF9C00  }
0x97: {  	[tilespmem:s9], [sflag:$0x1] =	stream.indirect.gather [hbm4b:s3+s10], $0x80, s1, s10, $0xb8;
	[tilespmem:$0x1A900] =	vst v63  }
0x98: {  	_ =	swait.ge [sflag:s12], $0x6400  }
0x99: {  	[sflag:s12] =	ssyncset.done $0x0  }
0x9a: {  	s1 =	rddreg [dreg:$0xd];
	[sflag:s12] =	ssyncadd.s32 $0xFFFF9C00  }
0x9b: {  	[hbm4b:s1+s2] =	stream.linear.scatter [tilespmem:s7], [sflag:$0x5], $0x6400, $0x38;
	[tilespmem:$0x1A900] =	vst v63  }
0x9c: {  	_ =	swait.ge [sflag:s4], $0x6400  }
0x9d: {  	s1 =	sld [smem:$0x7FB]  }
0x9e: {  	[sflag:s4] =	ssyncset.done $0x0  }
0x9f: {  	[sflag:s4] =	ssyncadd.s32 $0xFFFF9C00  }
0xa0: {  	[tilespmem:s7], [sflag:$0x2] =	stream.indirect.gather [hbm4b:s3+s10], $0x80, s1, s10, $0xb8;
	[tilespmem:$0x1A900] =	vst v63  }
0xa1: {  	_ =	swait.ge [sflag:s11], $0x6400  }
0xa2: {  	[sflag:s11] =	ssyncset.done $0x0  }
0xa3: {  	s1 =	rddreg [dreg:$0xe];
	[sflag:s11] =	ssyncadd.s32 $0xFFFF9C00  }
0xa4: {  	[hbm4b:s1+s2] =	stream.linear.scatter [tilespmem:s6], [sflag:$0x5], $0x6400, $0x38;
	[tilespmem:$0x1A900] =	vst v63  }
0xa5: {  	_ =	swait.ge [sflag:s4], $0x6400  }
0xa6: {  	s1 =	sld [smem:$0x7FC]  }
0xa7: {  	[sflag:s4] =	ssyncset.done $0x0  }
0xa8: {  	[sflag:s4] =	ssyncadd.s32 $0xFFFF9C00  }
0xa9: {  	[tilespmem:s6], [sflag:$0x3] =	stream.indirect.gather [hbm4b:s3+s10], $0x80, s1, s10, $0xb8;
	[tilespmem:$0x1A900] =	vst v63  }
0xaa: {  	_ =	swait.ge [sflag:s8], $0x6400  }
0xab: {  	[sflag:s8] =	ssyncset.done $0x0  }
0xac: {  	s1 =	rddreg [dreg:$0xf];
	[sflag:s8] =	ssyncadd.s32 $0xFFFF9C00  }
0xad: {  	[hbm4b:s1+s2] =	stream.linear.scatter [tilespmem:s5], [sflag:$0x5], $0x6400, $0x38;
	[tilespmem:$0x1A900] =	vst v63  }
0xae: {  	_ =	swait.ge [sflag:s4], $0x6400  }
0xaf: {  	s1 =	sld [smem:$0x7FD]  }
0xb0: {  	[sflag:s4] =	ssyncset.done $0x0  }
0xb1: {  	[sflag:s4] =	ssyncadd.s32 $0xFFFF9C00  }
0xb2: {  	[tilespmem:s5], [sflag:$0x4] =	stream.indirect.gather [hbm4b:s3+s10], $0x80, s1, s10, $0xb8;
	[tilespmem:$0x1A900] =	vst v63  }
0xb3: {  	_ =	swait.ge [sflag:s13], $0x6400  }
0xb4: {  	[sflag:s13] =	ssyncset.done $0x0  }
0xb5: {  	s1 =	rddreg [dreg:$0x10];
	[sflag:s13] =	ssyncadd.s32 $0xFFFF9C00  }
0xb6: {  	[hbm4b:s1+s2] =	stream.linear.scatter [tilespmem:s9], [sflag:$0x5], $0x6400, $0x38;
	[tilespmem:$0x1A900] =	vst v63  }
0xb7: {  	_ =	swait.ge [sflag:s4], $0x6400  }
0xb8: {  	[sflag:s4] =	ssyncset.done $0x0  }
0xb9: {  	s1 =	simm.s32 $0xC80;
	[sflag:s4] =	ssyncadd.s32 $0xFFFF9C00  }
0xba: {  	[tilespmem:s9], [sflag:$0x1] =	stream.indirect.gather [hbm4b:s3+s10], $0x80, s1, s10, $0xb8;
	[tilespmem:$0x1A900] =	vst v63  }
0xbb: {  	_ =	swait.ge [sflag:s12], $0x6400  }
0xbc: {  	[sflag:s12] =	ssyncset.done $0x0  }
0xbd: {  	s1 =	rddreg [dreg:$0x11];
	[sflag:s12] =	ssyncadd.s32 $0xFFFF9C00  }
0xbe: {  	[hbm4b:s1+s2] =	stream.linear.scatter [tilespmem:s7], [sflag:$0x5], $0x6400, $0x38;
	[tilespmem:$0x1A900] =	vst v63  }
0xbf: {  	_ =	swait.ge [sflag:s4], $0x6400  }
0xc0: {  	[sflag:s4] =	ssyncset.done $0x0  }
0xc1: {  	[sflag:s4] =	ssyncadd.s32 $0xFFFF9C00  }
0xc2: {  	[tilespmem:s7], [sflag:$0x2] =	stream.indirect.gather [hbm4b:s3+s10], $0x80, s30, s10, $0xb8;
	[tilespmem:$0x1A900] =	vst v63  }
0xc3: {  	_ =	swait.ge [sflag:s11], $0x6400  }
0xc4: {  	[sflag:s11] =	ssyncset.done $0x0  }
0xc5: {  	s1 =	rddreg [dreg:$0x12];
	[sflag:s11] =	ssyncadd.s32 $0xFFFF9C00  }
0xc6: {  	[hbm4b:s1+s2] =	stream.linear.scatter [tilespmem:s6], [sflag:$0x5], $0x6400, $0x38;
	[tilespmem:$0x1A900] =	vst v63  }
0xc7: {  	_ =	swait.ge [sflag:s4], $0x6400  }
0xc8: {  	[sflag:s4] =	ssyncset.done $0x0  }
0xc9: {  	[sflag:s4] =	ssyncadd.s32 $0xFFFF9C00  }
0xca: {  	[tilespmem:s6], [sflag:$0x3] =	stream.indirect.gather [hbm4b:s3+s10], $0x80, s29, s10, $0xb8;
	[tilespmem:$0x1A900] =	vst v63  }
0xcb: {  	_ =	swait.ge [sflag:s8], $0x6400  }
0xcc: {  	[sflag:s8] =	ssyncset.done $0x0  }
0xcd: {  	s1 =	rddreg [dreg:$0x13];
	[sflag:s8] =	ssyncadd.s32 $0xFFFF9C00  }
0xce: {  	[hbm4b:s1+s2] =	stream.linear.scatter [tilespmem:s5], [sflag:$0x5], $0x6400, $0x38;
	[tilespmem:$0x1A900] =	vst v63  }
0xcf: {  	_ =	swait.ge [sflag:s4], $0x6400  }
0xd0: {  	[sflag:s4] =	ssyncset.done $0x0  }
0xd1: {  	[sflag:s4] =	ssyncadd.s32 $0xFFFF9C00  }
0xd2: {  	[tilespmem:s5], [sflag:$0x4] =	stream.indirect.gather [hbm4b:s3+s10], $0x80, s28, s10, $0xb8;
	[tilespmem:$0x1A900] =	vst v63  }
0xd3: {  	_ =	swait.ge [sflag:s13], $0x6400  }
0xd4: {  	[sflag:s13] =	ssyncset.done $0x0  }
0xd5: {  	s1 =	rddreg [dreg:$0x14];
	[sflag:s13] =	ssyncadd.s32 $0xFFFF9C00  }
0xd6: {  	[hbm4b:s1+s2] =	stream.linear.scatter [tilespmem:s9], [sflag:$0x5], $0x6400, $0x38;
	[tilespmem:$0x1A900] =	vst v63  }
0xd7: {  	_ =	swait.ge [sflag:s4], $0x6400  }
0xd8: {  	[sflag:s4] =	ssyncset.done $0x0  }
0xd9: {  	[sflag:s4] =	ssyncadd.s32 $0xFFFF9C00  }
0xda: {  	[tilespmem:s9], [sflag:$0x1] =	stream.indirect.gather [hbm4b:s3+s10], $0x80, s26, s10, $0xb8;
	[tilespmem:$0x1A900] =	vst v63  }
0xdb: {  	_ =	swait.ge [sflag:s12], $0x6400  }
0xdc: {  	[sflag:s12] =	ssyncset.done $0x0  }
0xdd: {  	s1 =	rddreg [dreg:$0x15];
	[sflag:s12] =	ssyncadd.s32 $0xFFFF9C00  }
0xde: {  	[hbm4b:s1+s2] =	stream.linear.scatter [tilespmem:s7], [sflag:$0x5], $0x6400, $0x38;
	[tilespmem:$0x1A900] =	vst v63  }
0xdf: {  	_ =	swait.ge [sflag:s4], $0x6400  }
0xe0: {  	[sflag:s4] =	ssyncset.done $0x0  }
0xe1: {  	[sflag:s4] =	ssyncadd.s32 $0xFFFF9C00  }
0xe2: {  	[tilespmem:s7], [sflag:$0x2] =	stream.indirect.gather [hbm4b:s3+s10], $0x80, s25, s10, $0xb8;
	[tilespmem:$0x1A900] =	vst v63  }
0xe3: {  	_ =	swait.ge [sflag:s11], $0x6400  }
0xe4: {  	[sflag:s11] =	ssyncset.done $0x0  }
0xe5: {  	s1 =	rddreg [dreg:$0x16];
	[sflag:s11] =	ssyncadd.s32 $0xFFFF9C00  }
0xe6: {  	[hbm4b:s1+s2] =	stream.linear.scatter [tilespmem:s6], [sflag:$0x5], $0x6400, $0x38;
	[tilespmem:$0x1A900] =	vst v63  }
0xe7: {  	_ =	swait.ge [sflag:s4], $0x6400  }
0xe8: {  	[sflag:s4] =	ssyncset.done $0x0  }
0xe9: {  	[sflag:s4] =	ssyncadd.s32 $0xFFFF9C00  }
0xea: {  	[tilespmem:s6], [sflag:$0x3] =	stream.indirect.gather [hbm4b:s3+s10], $0x80, s24, s10, $0xb8;
	[tilespmem:$0x1A900] =	vst v63  }
0xeb: {  	_ =	swait.ge [sflag:s8], $0x6400  }
0xec: {  	[sflag:s8] =	ssyncset.done $0x0  }
0xed: {  	s1 =	rddreg [dreg:$0x17];
	[sflag:s8] =	ssyncadd.s32 $0xFFFF9C00  }
0xee: {  	[hbm4b:s1+s2] =	stream.linear.scatter [tilespmem:s5], [sflag:$0x5], $0x6400, $0x38;
	[tilespmem:$0x1A900] =	vst v63  }
0xef: {  	_ =	swait.ge [sflag:s4], $0x6400  }
0xf0: {  	[sflag:s4] =	ssyncset.done $0x0  }
0xf1: {  	[sflag:s4] =	ssyncadd.s32 $0xFFFF9C00  }
0xf2: {  	[tilespmem:s5], [sflag:$0x4] =	stream.indirect.gather [hbm4b:s3+s10], $0x80, s23, s10, $0xb8;
	[tilespmem:$0x1A900] =	vst v63  }
0xf3: {  	_ =	swait.ge [sflag:s13], $0x6400  }
0xf4: {  	[sflag:s13] =	ssyncset.done $0x0  }
0xf5: {  	s1 =	rddreg [dreg:$0x18];
	[sflag:s13] =	ssyncadd.s32 $0xFFFF9C00  }
0xf6: {  	[hbm4b:s1+s2] =	stream.linear.scatter [tilespmem:s9], [sflag:$0x5], $0x6400, $0x38;
	[tilespmem:$0x1A900] =	vst v63  }
0xf7: {  	_ =	swait.ge [sflag:s4], $0x6400  }
0xf8: {  	[sflag:s4] =	ssyncset.done $0x0  }
0xf9: {  	[sflag:s4] =	ssyncadd.s32 $0xFFFF9C00  }
0xfa: {  	[tilespmem:s9], [sflag:$0x1] =	stream.indirect.gather [hbm4b:s3+s10], $0x80, s22, s10, $0xb8;
	[tilespmem:$0x1A900] =	vst v63  }
0xfb: {  	_ =	swait.ge [sflag:s12], $0x6400  }
0xfc: {  	[sflag:s12] =	ssyncset.done $0x0  }
0xfd: {  	s1 =	rddreg [dreg:$0x19];
	[sflag:s12] =	ssyncadd.s32 $0xFFFF9C00  }
0xfe: {  	[hbm4b:s1+s2] =	stream.linear.scatter [tilespmem:s7], [sflag:$0x5], $0x6400, $0x38;
	[tilespmem:$0x1A900] =	vst v63  }
0xff: {  	_ =	swait.ge [sflag:s4], $0x6400  }
0x100: {  	[sflag:s4] =	ssyncset.done $0x0  }
0x101: {  	[sflag:s4] =	ssyncadd.s32 $0xFFFF9C00  }
0x102: {  	[tilespmem:s7], [sflag:$0x2] =	stream.indirect.gather [hbm4b:s3+s10], $0x80, s21, s10, $0xb8;
	[tilespmem:$0x1A900] =	vst v63  }
0x103: {  	_ =	swait.ge [sflag:s11], $0x6400  }
0x104: {  	[sflag:s11] =	ssyncset.done $0x0  }
0x105: {  	s1 =	rddreg [dreg:$0x1a];
	[sflag:s11] =	ssyncadd.s32 $0xFFFF9C00  }
0x106: {  	[hbm4b:s1+s2] =	stream.linear.scatter [tilespmem:s6], [sflag:$0x5], $0x6400, $0x38;
	[tilespmem:$0x1A900] =	vst v63  }
0x107: {  	_ =	swait.ge [sflag:s4], $0x6400  }
0x108: {  	[sflag:s4] =	ssyncset.done $0x0  }
0x109: {  	[sflag:s4] =	ssyncadd.s32 $0xFFFF9C00  }
0x10a: {  	[tilespmem:s6], [sflag:$0x3] =	stream.indirect.gather [hbm4b:s3+s10], $0x80, s20, s10, $0xb8;
	[tilespmem:$0x1A900] =	vst v63  }
0x10b: {  	_ =	swait.ge [sflag:s8], $0x6400  }
0x10c: {  	[sflag:s8] =	ssyncset.done $0x0  }
0x10d: {  	s1 =	rddreg [dreg:$0x1b];
	[sflag:s8] =	ssyncadd.s32 $0xFFFF9C00  }
0x10e: {  	[hbm4b:s1+s2] =	stream.linear.scatter [tilespmem:s5], [sflag:$0x5], $0x6400, $0x38;
	[tilespmem:$0x1A900] =	vst v63  }
0x10f: {  	_ =	swait.ge [sflag:s4], $0x6400  }
0x110: {  	[sflag:s4] =	ssyncset.done $0x0  }
0x111: {  	[sflag:s4] =	ssyncadd.s32 $0xFFFF9C00  }
0x112: {  	[tilespmem:s5], [sflag:$0x4] =	stream.indirect.gather [hbm4b:s3+s10], $0x80, s19, s10, $0xb8;
	[tilespmem:$0x1A900] =	vst v63  }
0x113: {  	_ =	swait.ge [sflag:s13], $0x6400  }
0x114: {  	[sflag:s13] =	ssyncset.done $0x0  }
0x115: {  	s1 =	rddreg [dreg:$0x1c];
	[sflag:s13] =	ssyncadd.s32 $0xFFFF9C00  }
0x116: {  	[hbm4b:s1+s2] =	stream.linear.scatter [tilespmem:s9], [sflag:$0x5], $0x6400, $0x38;
	[tilespmem:$0x1A900] =	vst v63  }
0x117: {  	_ =	swait.ge [sflag:s4], $0x6400  }
0x118: {  	[sflag:s4] =	ssyncset.done $0x0  }
0x119: {  	[sflag:s4] =	ssyncadd.s32 $0xFFFF9C00  }
0x11a: {  	[tilespmem:s9], [sflag:$0x1] =	stream.indirect.gather [hbm4b:s3+s10], $0x80, s18, s10, $0xb8;
	[tilespmem:$0x1A900] =	vst v63  }
0x11b: {  	_ =	swait.ge [sflag:s12], $0x6400  }
0x11c: {  	[sflag:s12] =	ssyncset.done $0x0  }
0x11d: {  	s1 =	rddreg [dreg:$0x1d];
	[sflag:s12] =	ssyncadd.s32 $0xFFFF9C00  }
0x11e: {  	[hbm4b:s1+s2] =	stream.linear.scatter [tilespmem:s7], [sflag:$0x5], $0x6400, $0x38;
	[tilespmem:$0x1A900] =	vst v63  }
0x11f: {  	_ =	swait.ge [sflag:s4], $0x6400  }
0x120: {  	[sflag:s4] =	ssyncset.done $0x0  }
0x121: {  	[sflag:s4] =	ssyncadd.s32 $0xFFFF9C00  }
0x122: {  	[tilespmem:s7], [sflag:$0x2] =	stream.indirect.gather [hbm4b:s3+s10], $0x80, s17, s10, $0xb8;
	[tilespmem:$0x1A900] =	vst v63  }
0x123: {  	_ =	swait.ge [sflag:s11], $0x6400  }
0x124: {  	[sflag:s11] =	ssyncset.done $0x0  }
0x125: {  	s1 =	rddreg [dreg:$0x1e];
	[sflag:s11] =	ssyncadd.s32 $0xFFFF9C00  }
0x126: {  	[hbm4b:s1+s2] =	stream.linear.scatter [tilespmem:s6], [sflag:$0x5], $0x6400, $0x38;
	[tilespmem:$0x1A900] =	vst v63  }
0x127: {  	_ =	swait.ge [sflag:s4], $0x6400  }
0x128: {  	[sflag:s4] =	ssyncset.done $0x0  }
0x129: {  	[sflag:s4] =	ssyncadd.s32 $0xFFFF9C00  }
0x12a: {  	[tilespmem:s6], [sflag:$0x3] =	stream.indirect.gather [hbm4b:s3+s10], $0x80, s16, s10, $0xb8;
	[tilespmem:$0x1A900] =	vst v63  }
0x12b: {  	_ =	swait.ge [sflag:s8], $0x6400  }
0x12c: {  	[sflag:s8] =	ssyncset.done $0x0  }
0x12d: {  	s1 =	rddreg [dreg:$0x1f];
	[sflag:s8] =	ssyncadd.s32 $0xFFFF9C00  }
0x12e: {  	[hbm4b:s1+s2] =	stream.linear.scatter [tilespmem:s5], [sflag:$0x5], $0x6400, $0x38;
	[tilespmem:$0x1A900] =	vst v63  }
0x12f: {  	_ =	swait.ge [sflag:s4], $0x6400  }
0x130: {  	[sflag:s4] =	ssyncset.done $0x0  }
0x131: {  	[sflag:s4] =	ssyncadd.s32 $0xFFFF9C00  }
0x132: {  	[tilespmem:s5], [sflag:$0x4] =	stream.indirect.gather [hbm4b:s3+s10], $0x80, s15, s10, $0xb8;
	[tilespmem:$0x1A900] =	vst v63  }
0x133: {  	_ =	swait.ge [sflag:s13], $0x6400  }
0x134: {  	s1 =	sld [smem:$0x7EC]  }
0x135: {  	[sflag:s13] =	ssyncset.done $0x0  }
0x136: {  	[sflag:s13] =	ssyncadd.s32 $0xFFFF9C00  }
0x137: {  	[hbm4b:s1+s2] =	stream.linear.scatter [tilespmem:s9], [sflag:$0x5], $0x6400, $0x38;
	[tilespmem:$0x1A900] =	vst v63  }
0x138: {  	_ =	swait.ge [sflag:s4], $0x6400  }
0x139: {  	[sflag:s4] =	ssyncset.done $0x0  }
0x13a: {  	[sflag:s4] =	ssyncadd.s32 $0xFFFF9C00  }
0x13b: {  	_ =	swait.ge [sflag:s12], $0x6400  }
0x13c: {  	s1 =	sld [smem:$0x7ED]  }
0x13d: {  	[sflag:s12] =	ssyncset.done $0x0  }
0x13e: {  	[sflag:s12] =	ssyncadd.s32 $0xFFFF9C00  }
0x13f: {  	[hbm4b:s1+s2] =	stream.linear.scatter [tilespmem:s7], [sflag:$0x5], $0x6400, $0x38;
	[tilespmem:$0x1A900] =	vst v63  }
0x140: {  	_ =	swait.ge [sflag:s4], $0x6400  }
0x141: {  	[sflag:s4] =	ssyncset.done $0x0  }
0x142: {  	[sflag:s4] =	ssyncadd.s32 $0xFFFF9C00  }
0x143: {  	_ =	swait.ge [sflag:s11], $0x6400  }
0x144: {  	s1 =	sld [smem:$0x7EE]  }
0x145: {  	[sflag:s11] =	ssyncset.done $0x0  }
0x146: {  	[sflag:s11] =	ssyncadd.s32 $0xFFFF9C00  }
0x147: {  	[hbm4b:s1+s2] =	stream.linear.scatter [tilespmem:s6], [sflag:$0x5], $0x6400, $0x38;
	[tilespmem:$0x1A900] =	vst v63  }
0x148: {  	_ =	swait.ge [sflag:s4], $0x6400  }
0x149: {  	[sflag:s4] =	ssyncset.done $0x0  }
0x14a: {  	[sflag:s4] =	ssyncadd.s32 $0xFFFF9C00  }
0x14b: {  	_ =	swait.ge [sflag:s8], $0x6400  }
0x14c: {  	p1 =	sne.s32 s14, $0x1;
	s1 =	sld [smem:$0x7EF]  }
.Ltmp1:
0x14d: {  	[sflag:s8] =	ssyncset.done $0x0;
	(pc) =	sbr.rel @!p1 .LBB2_3-.Ltmp1, $4  }
0x14e: {  	[sflag:s8] =	ssyncadd.s32 $0xFFFF9C00  }
0x14f: {  	[hbm4b:s1+s2] =	stream.linear.scatter [tilespmem:s5], [sflag:$0x5], $0x6400, $0x38;
	[tilespmem:$0x1A900] =	vst v63  }
0x150: {  	p0 =	por $0x1, $0x1;
	_ =	swait.ge [sflag:s4], $0x6400  }
0x151: {  	s1 =	sadd.s32 $0xFFFFFFFF, s14;
	s0 =	rddreg [dreg:$0x4];
	[sflag:s4] =	ssyncset.done $0x0  }
.LBB2_4:
0x152: {  	[sflag:s4] =	ssyncadd.s32 $0xFFFF9C00  }
0x153: {  	[tilespmem:s2], [sflag:$0x5] =	stream.linear.gather [hbm4b:s0+s2], $0x1900, $0x38;
	[tilespmem:$0x1A900] =	vst v63  }
0x154: {  	_ =	swait.ge [sflag:s4], $0x1900  }
0x155: {  	[sflag:s4] =	ssyncset.done $0x0  }
0x156: {  	[sflag:s4] =	ssyncadd.s32 $0xFFFFE700  }
0x157: {  	[tilespmem:s9], [sflag:$0x1] =	stream.indirect.gather [hbm4b:s3+s10], $0x80, s2, s10, $0xb8;
	[tilespmem:$0x1A900] =	vst v63  }
0x158: {  	s0 =	sld [smem:$0x7F0]  }
0x159: {  	[tilespmem:s7], [sflag:$0x2] =	stream.indirect.gather [hbm4b:s3+s10], $0x80, s10, s10, $0xb8;
	[tilespmem:$0x1A900] =	vst v63  }
0x15a: {  	s14 =	sld [smem:$0x7F1]  }
0x15b: {  	[tilespmem:s6], [sflag:$0x3] =	stream.indirect.gather [hbm4b:s3+s10], $0x80, s0, s10, $0xb8;
	[tilespmem:$0x1A900] =	vst v63  }
0x15c: {  	_ = 	snop  }
0x15d: {  	[tilespmem:s5], [sflag:$0x4] =	stream.indirect.gather [hbm4b:s3+s10], $0x80, s14, s10, $0xb8;
	[tilespmem:$0x1A900] =	vst v63  }
0x15e: {  	_ =	swait.ge [sflag:s13], $0x6400  }
0x15f: {  	[sflag:s13] =	ssyncset.done $0x0  }
0x160: {  	[sflag:s13] =	ssyncadd.s32 $0xFFFF9C00  }
0x161: {  	[hbm4b:s31+s2] =	stream.linear.scatter [tilespmem:s9], [sflag:$0x5], $0x6400, $0x38;
	[tilespmem:$0x1A900] =	vst v63  }
0x162: {  	_ =	swait.ge [sflag:s4], $0x6400  }
0x163: {  	s14 =	sld [smem:$0x7F2]  }
0x164: {  	[sflag:s4] =	ssyncset.done $0x0  }
0x165: {  	[sflag:s4] =	ssyncadd.s32 $0xFFFF9C00  }
0x166: {  	[tilespmem:s9], [sflag:$0x1] =	stream.indirect.gather [hbm4b:s3+s10], $0x80, s14, s10, $0xb8;
	[tilespmem:$0x1A900] =	vst v63  }
0x167: {  	_ =	swait.ge [sflag:s12], $0x6400  }
0x168: {  	[sflag:s12] =	ssyncset.done $0x0  }
0x169: {  	s14 =	rddreg [dreg:$0x5];
	[sflag:s12] =	ssyncadd.s32 $0xFFFF9C00  }
0x16a: {  	[hbm4b:s14+s2] =	stream.linear.scatter [tilespmem:s7], [sflag:$0x5], $0x6400, $0x38;
	[tilespmem:$0x1A900] =	vst v63  }
0x16b: {  	_ =	swait.ge [sflag:s4], $0x6400  }
0x16c: {  	s14 =	sld [smem:$0x7F3]  }
0x16d: {  	[sflag:s4] =	ssyncset.done $0x0  }
0x16e: {  	[sflag:s4] =	ssyncadd.s32 $0xFFFF9C00  }
0x16f: {  	[tilespmem:s7], [sflag:$0x2] =	stream.indirect.gather [hbm4b:s3+s10], $0x80, s14, s10, $0xb8;
	[tilespmem:$0x1A900] =	vst v63  }
0x170: {  	_ =	swait.ge [sflag:s11], $0x6400  }
0x171: {  	[sflag:s11] =	ssyncset.done $0x0  }
0x172: {  	s14 =	rddreg [dreg:$0x6];
	[sflag:s11] =	ssyncadd.s32 $0xFFFF9C00  }
0x173: {  	[hbm4b:s14+s2] =	stream.linear.scatter [tilespmem:s6], [sflag:$0x5], $0x6400, $0x38;
	[tilespmem:$0x1A900] =	vst v63  }
0x174: {  	_ =	swait.ge [sflag:s4], $0x6400  }
0x175: {  	s14 =	sld [smem:$0x7F4]  }
0x176: {  	[sflag:s4] =	ssyncset.done $0x0  }
0x177: {  	[sflag:s4] =	ssyncadd.s32 $0xFFFF9C00  }
0x178: {  	[tilespmem:s6], [sflag:$0x3] =	stream.indirect.gather [hbm4b:s3+s10], $0x80, s14, s10, $0xb8;
	[tilespmem:$0x1A900] =	vst v63  }
0x179: {  	_ =	swait.ge [sflag:s8], $0x6400  }
0x17a: {  	[sflag:s8] =	ssyncset.done $0x0  }
0x17b: {  	s14 =	rddreg [dreg:$0x7];
	[sflag:s8] =	ssyncadd.s32 $0xFFFF9C00  }
0x17c: {  	[hbm4b:s14+s2] =	stream.linear.scatter [tilespmem:s5], [sflag:$0x5], $0x6400, $0x38;
	[tilespmem:$0x1A900] =	vst v63  }
0x17d: {  	_ =	swait.ge [sflag:s4], $0x6400  }
0x17e: {  	s14 =	sld [smem:$0x7F5]  }
0x17f: {  	[sflag:s4] =	ssyncset.done $0x0  }
0x180: {  	[sflag:s4] =	ssyncadd.s32 $0xFFFF9C00  }
0x181: {  	[tilespmem:s5], [sflag:$0x4] =	stream.indirect.gather [hbm4b:s3+s10], $0x80, s14, s10, $0xb8;
	[tilespmem:$0x1A900] =	vst v63  }
0x182: {  	_ =	swait.ge [sflag:s13], $0x6400  }
0x183: {  	[sflag:s13] =	ssyncset.done $0x0  }
0x184: {  	s14 =	rddreg [dreg:$0x8];
	[sflag:s13] =	ssyncadd.s32 $0xFFFF9C00  }
0x185: {  	[hbm4b:s14+s2] =	stream.linear.scatter [tilespmem:s9], [sflag:$0x5], $0x6400, $0x38;
	[tilespmem:$0x1A900] =	vst v63  }
0x186: {  	_ =	swait.ge [sflag:s4], $0x6400  }
0x187: {  	s14 =	sld [smem:$0x7F6]  }
0x188: {  	[sflag:s4] =	ssyncset.done $0x0  }
0x189: {  	[sflag:s4] =	ssyncadd.s32 $0xFFFF9C00  }
0x18a: {  	[tilespmem:s9], [sflag:$0x1] =	stream.indirect.gather [hbm4b:s3+s10], $0x80, s14, s10, $0xb8;
	[tilespmem:$0x1A900] =	vst v63  }
0x18b: {  	_ =	swait.ge [sflag:s12], $0x6400  }
0x18c: {  	[sflag:s12] =	ssyncset.done $0x0  }
0x18d: {  	s14 =	rddreg [dreg:$0x9];
	[sflag:s12] =	ssyncadd.s32 $0xFFFF9C00  }
0x18e: {  	[hbm4b:s14+s2] =	stream.linear.scatter [tilespmem:s7], [sflag:$0x5], $0x6400, $0x38;
	[tilespmem:$0x1A900] =	vst v63  }
0x18f: {  	_ =	swait.ge [sflag:s4], $0x6400  }
0x190: {  	s14 =	sld [smem:$0x7F7]  }
0x191: {  	[sflag:s4] =	ssyncset.done $0x0  }
0x192: {  	[sflag:s4] =	ssyncadd.s32 $0xFFFF9C00  }
0x193: {  	[tilespmem:s7], [sflag:$0x2] =	stream.indirect.gather [hbm4b:s3+s10], $0x80, s14, s10, $0xb8;
	[tilespmem:$0x1A900] =	vst v63  }
0x194: {  	_ =	swait.ge [sflag:s11], $0x6400  }
0x195: {  	[sflag:s11] =	ssyncset.done $0x0  }
0x196: {  	s14 =	rddreg [dreg:$0xa];
	[sflag:s11] =	ssyncadd.s32 $0xFFFF9C00  }
0x197: {  	[hbm4b:s14+s2] =	stream.linear.scatter [tilespmem:s6], [sflag:$0x5], $0x6400, $0x38;
	[tilespmem:$0x1A900] =	vst v63  }
0x198: {  	_ =	swait.ge [sflag:s4], $0x6400  }
0x199: {  	s14 =	sld [smem:$0x7F8]  }
0x19a: {  	[sflag:s4] =	ssyncset.done $0x0  }
0x19b: {  	[sflag:s4] =	ssyncadd.s32 $0xFFFF9C00  }
0x19c: {  	[tilespmem:s6], [sflag:$0x3] =	stream.indirect.gather [hbm4b:s3+s10], $0x80, s14, s10, $0xb8;
	[tilespmem:$0x1A900] =	vst v63  }
0x19d: {  	_ =	swait.ge [sflag:s8], $0x6400  }
0x19e: {  	[sflag:s8] =	ssyncset.done $0x0  }
0x19f: {  	s14 =	rddreg [dreg:$0xb];
	[sflag:s8] =	ssyncadd.s32 $0xFFFF9C00  }
0x1a0: {  	[hbm4b:s14+s2] =	stream.linear.scatter [tilespmem:s5], [sflag:$0x5], $0x6400, $0x38;
	[tilespmem:$0x1A900] =	vst v63  }
0x1a1: {  	_ =	swait.ge [sflag:s4], $0x6400  }
0x1a2: {  	s14 =	sld [smem:$0x7F9]  }
0x1a3: {  	[sflag:s4] =	ssyncset.done $0x0  }
0x1a4: {  	[sflag:s4] =	ssyncadd.s32 $0xFFFF9C00  }
0x1a5: {  	[tilespmem:s5], [sflag:$0x4] =	stream.indirect.gather [hbm4b:s3+s10], $0x80, s14, s10, $0xb8;
	[tilespmem:$0x1A900] =	vst v63  }
0x1a6: {  	_ =	swait.ge [sflag:s13], $0x6400  }
0x1a7: {  	[sflag:s13] =	ssyncset.done $0x0  }
0x1a8: {  	s14 =	rddreg [dreg:$0xc];
	[sflag:s13] =	ssyncadd.s32 $0xFFFF9C00  }
0x1a9: {  	[hbm4b:s14+s2] =	stream.linear.scatter [tilespmem:s9], [sflag:$0x5], $0x6400, $0x38;
	[tilespmem:$0x1A900] =	vst v63  }
0x1aa: {  	_ =	swait.ge [sflag:s4], $0x6400  }
0x1ab: {  	s14 =	sld [smem:$0x7FA]  }
0x1ac: {  	[sflag:s4] =	ssyncset.done $0x0  }
0x1ad: {  	[sflag:s4] =	ssyncadd.s32 $0xFFFF9C00  }
0x1ae: {  	[tilespmem:s9], [sflag:$0x1] =	stream.indirect.gather [hbm4b:s3+s10], $0x80, s14, s10, $0xb8;
	[tilespmem:$0x1A900] =	vst v63  }
0x1af: {  	_ =	swait.ge [sflag:s12], $0x6400  }
0x1b0: {  	[sflag:s12] =	ssyncset.done $0x0  }
0x1b1: {  	s14 =	rddreg [dreg:$0xd];
	[sflag:s12] =	ssyncadd.s32 $0xFFFF9C00  }
0x1b2: {  	[hbm4b:s14+s2] =	stream.linear.scatter [tilespmem:s7], [sflag:$0x5], $0x6400, $0x38;
	[tilespmem:$0x1A900] =	vst v63  }
0x1b3: {  	_ =	swait.ge [sflag:s4], $0x6400  }
0x1b4: {  	s14 =	sld [smem:$0x7FB]  }
0x1b5: {  	[sflag:s4] =	ssyncset.done $0x0  }
0x1b6: {  	[sflag:s4] =	ssyncadd.s32 $0xFFFF9C00  }
0x1b7: {  	[tilespmem:s7], [sflag:$0x2] =	stream.indirect.gather [hbm4b:s3+s10], $0x80, s14, s10, $0xb8;
	[tilespmem:$0x1A900] =	vst v63  }
0x1b8: {  	_ =	swait.ge [sflag:s11], $0x6400  }
0x1b9: {  	[sflag:s11] =	ssyncset.done $0x0  }
0x1ba: {  	s14 =	rddreg [dreg:$0xe];
	[sflag:s11] =	ssyncadd.s32 $0xFFFF9C00  }
0x1bb: {  	[hbm4b:s14+s2] =	stream.linear.scatter [tilespmem:s6], [sflag:$0x5], $0x6400, $0x38;
	[tilespmem:$0x1A900] =	vst v63  }
0x1bc: {  	_ =	swait.ge [sflag:s4], $0x6400  }
0x1bd: {  	s14 =	sld [smem:$0x7FC]  }
0x1be: {  	[sflag:s4] =	ssyncset.done $0x0  }
0x1bf: {  	[sflag:s4] =	ssyncadd.s32 $0xFFFF9C00  }
0x1c0: {  	[tilespmem:s6], [sflag:$0x3] =	stream.indirect.gather [hbm4b:s3+s10], $0x80, s14, s10, $0xb8;
	[tilespmem:$0x1A900] =	vst v63  }
0x1c1: {  	_ =	swait.ge [sflag:s8], $0x6400  }
0x1c2: {  	[sflag:s8] =	ssyncset.done $0x0  }
0x1c3: {  	s14 =	rddreg [dreg:$0xf];
	[sflag:s8] =	ssyncadd.s32 $0xFFFF9C00  }
0x1c4: {  	[hbm4b:s14+s2] =	stream.linear.scatter [tilespmem:s5], [sflag:$0x5], $0x6400, $0x38;
	[tilespmem:$0x1A900] =	vst v63  }
0x1c5: {  	_ =	swait.ge [sflag:s4], $0x6400  }
0x1c6: {  	s14 =	sld [smem:$0x7FD]  }
0x1c7: {  	[sflag:s4] =	ssyncset.done $0x0  }
0x1c8: {  	[sflag:s4] =	ssyncadd.s32 $0xFFFF9C00  }
0x1c9: {  	[tilespmem:s5], [sflag:$0x4] =	stream.indirect.gather [hbm4b:s3+s10], $0x80, s14, s10, $0xb8;
	[tilespmem:$0x1A900] =	vst v63  }
0x1ca: {  	_ =	swait.ge [sflag:s13], $0x6400  }
0x1cb: {  	[sflag:s13] =	ssyncset.done $0x0  }
0x1cc: {  	s14 =	rddreg [dreg:$0x10];
	[sflag:s13] =	ssyncadd.s32 $0xFFFF9C00  }
0x1cd: {  	[hbm4b:s14+s2] =	stream.linear.scatter [tilespmem:s9], [sflag:$0x5], $0x6400, $0x38;
	[tilespmem:$0x1A900] =	vst v63  }
0x1ce: {  	_ =	swait.ge [sflag:s4], $0x6400  }
0x1cf: {  	[sflag:s4] =	ssyncset.done $0x0  }
0x1d0: {  	s14 =	simm.s32 $0xC80;
	[sflag:s4] =	ssyncadd.s32 $0xFFFF9C00  }
0x1d1: {  	[tilespmem:s9], [sflag:$0x1] =	stream.indirect.gather [hbm4b:s3+s10], $0x80, s14, s10, $0xb8;
	[tilespmem:$0x1A900] =	vst v63  }
0x1d2: {  	_ =	swait.ge [sflag:s12], $0x6400  }
0x1d3: {  	[sflag:s12] =	ssyncset.done $0x0  }
0x1d4: {  	s14 =	rddreg [dreg:$0x11];
	[sflag:s12] =	ssyncadd.s32 $0xFFFF9C00  }
0x1d5: {  	[hbm4b:s14+s2] =	stream.linear.scatter [tilespmem:s7], [sflag:$0x5], $0x6400, $0x38;
	[tilespmem:$0x1A900] =	vst v63  }
0x1d6: {  	_ =	swait.ge [sflag:s4], $0x6400  }
0x1d7: {  	[sflag:s4] =	ssyncset.done $0x0  }
0x1d8: {  	[sflag:s4] =	ssyncadd.s32 $0xFFFF9C00  }
0x1d9: {  	[tilespmem:s7], [sflag:$0x2] =	stream.indirect.gather [hbm4b:s3+s10], $0x80, s30, s10, $0xb8;
	[tilespmem:$0x1A900] =	vst v63  }
0x1da: {  	_ =	swait.ge [sflag:s11], $0x6400  }
0x1db: {  	[sflag:s11] =	ssyncset.done $0x0  }
0x1dc: {  	s14 =	rddreg [dreg:$0x12];
	[sflag:s11] =	ssyncadd.s32 $0xFFFF9C00  }
0x1dd: {  	[hbm4b:s14+s2] =	stream.linear.scatter [tilespmem:s6], [sflag:$0x5], $0x6400, $0x38;
	[tilespmem:$0x1A900] =	vst v63  }
0x1de: {  	_ =	swait.ge [sflag:s4], $0x6400  }
0x1df: {  	[sflag:s4] =	ssyncset.done $0x0  }
0x1e0: {  	[sflag:s4] =	ssyncadd.s32 $0xFFFF9C00  }
0x1e1: {  	[tilespmem:s6], [sflag:$0x3] =	stream.indirect.gather [hbm4b:s3+s10], $0x80, s29, s10, $0xb8;
	[tilespmem:$0x1A900] =	vst v63  }
0x1e2: {  	_ =	swait.ge [sflag:s8], $0x6400  }
0x1e3: {  	[sflag:s8] =	ssyncset.done $0x0  }
0x1e4: {  	s14 =	rddreg [dreg:$0x13];
	[sflag:s8] =	ssyncadd.s32 $0xFFFF9C00  }
0x1e5: {  	[hbm4b:s14+s2] =	stream.linear.scatter [tilespmem:s5], [sflag:$0x5], $0x6400, $0x38;
	[tilespmem:$0x1A900] =	vst v63  }
0x1e6: {  	_ =	swait.ge [sflag:s4], $0x6400  }
0x1e7: {  	[sflag:s4] =	ssyncset.done $0x0  }
0x1e8: {  	[sflag:s4] =	ssyncadd.s32 $0xFFFF9C00  }
0x1e9: {  	[tilespmem:s5], [sflag:$0x4] =	stream.indirect.gather [hbm4b:s3+s10], $0x80, s28, s10, $0xb8;
	[tilespmem:$0x1A900] =	vst v63  }
0x1ea: {  	_ =	swait.ge [sflag:s13], $0x6400  }
0x1eb: {  	[sflag:s13] =	ssyncset.done $0x0  }
0x1ec: {  	s14 =	rddreg [dreg:$0x14];
	[sflag:s13] =	ssyncadd.s32 $0xFFFF9C00  }
0x1ed: {  	[hbm4b:s14+s2] =	stream.linear.scatter [tilespmem:s9], [sflag:$0x5], $0x6400, $0x38;
	[tilespmem:$0x1A900] =	vst v63  }
0x1ee: {  	_ =	swait.ge [sflag:s4], $0x6400  }
0x1ef: {  	[sflag:s4] =	ssyncset.done $0x0  }
0x1f0: {  	[sflag:s4] =	ssyncadd.s32 $0xFFFF9C00  }
0x1f1: {  	[tilespmem:s9], [sflag:$0x1] =	stream.indirect.gather [hbm4b:s3+s10], $0x80, s26, s10, $0xb8;
	[tilespmem:$0x1A900] =	vst v63  }
0x1f2: {  	_ =	swait.ge [sflag:s12], $0x6400  }
0x1f3: {  	[sflag:s12] =	ssyncset.done $0x0  }
0x1f4: {  	s14 =	rddreg [dreg:$0x15];
	[sflag:s12] =	ssyncadd.s32 $0xFFFF9C00  }
0x1f5: {  	[hbm4b:s14+s2] =	stream.linear.scatter [tilespmem:s7], [sflag:$0x5], $0x6400, $0x38;
	[tilespmem:$0x1A900] =	vst v63  }
0x1f6: {  	_ =	swait.ge [sflag:s4], $0x6400  }
0x1f7: {  	[sflag:s4] =	ssyncset.done $0x0  }
0x1f8: {  	[sflag:s4] =	ssyncadd.s32 $0xFFFF9C00  }
0x1f9: {  	[tilespmem:s7], [sflag:$0x2] =	stream.indirect.gather [hbm4b:s3+s10], $0x80, s25, s10, $0xb8;
	[tilespmem:$0x1A900] =	vst v63  }
0x1fa: {  	_ =	swait.ge [sflag:s11], $0x6400  }
0x1fb: {  	[sflag:s11] =	ssyncset.done $0x0  }
0x1fc: {  	s14 =	rddreg [dreg:$0x16];
	[sflag:s11] =	ssyncadd.s32 $0xFFFF9C00  }
0x1fd: {  	[hbm4b:s14+s2] =	stream.linear.scatter [tilespmem:s6], [sflag:$0x5], $0x6400, $0x38;
	[tilespmem:$0x1A900] =	vst v63  }
0x1fe: {  	_ =	swait.ge [sflag:s4], $0x6400  }
0x1ff: {  	[sflag:s4] =	ssyncset.done $0x0  }
0x200: {  	[sflag:s4] =	ssyncadd.s32 $0xFFFF9C00  }
0x201: {  	[tilespmem:s6], [sflag:$0x3] =	stream.indirect.gather [hbm4b:s3+s10], $0x80, s24, s10, $0xb8;
	[tilespmem:$0x1A900] =	vst v63  }
0x202: {  	_ =	swait.ge [sflag:s8], $0x6400  }
0x203: {  	[sflag:s8] =	ssyncset.done $0x0  }
0x204: {  	s14 =	rddreg [dreg:$0x17];
	[sflag:s8] =	ssyncadd.s32 $0xFFFF9C00  }
0x205: {  	[hbm4b:s14+s2] =	stream.linear.scatter [tilespmem:s5], [sflag:$0x5], $0x6400, $0x38;
	[tilespmem:$0x1A900] =	vst v63  }
0x206: {  	_ =	swait.ge [sflag:s4], $0x6400  }
0x207: {  	[sflag:s4] =	ssyncset.done $0x0  }
0x208: {  	[sflag:s4] =	ssyncadd.s32 $0xFFFF9C00  }
0x209: {  	[tilespmem:s5], [sflag:$0x4] =	stream.indirect.gather [hbm4b:s3+s10], $0x80, s23, s10, $0xb8;
	[tilespmem:$0x1A900] =	vst v63  }
0x20a: {  	_ =	swait.ge [sflag:s13], $0x6400  }
0x20b: {  	[sflag:s13] =	ssyncset.done $0x0  }
0x20c: {  	s14 =	rddreg [dreg:$0x18];
	[sflag:s13] =	ssyncadd.s32 $0xFFFF9C00  }
0x20d: {  	[hbm4b:s14+s2] =	stream.linear.scatter [tilespmem:s9], [sflag:$0x5], $0x6400, $0x38;
	[tilespmem:$0x1A900] =	vst v63  }
0x20e: {  	_ =	swait.ge [sflag:s4], $0x6400  }
0x20f: {  	[sflag:s4] =	ssyncset.done $0x0  }
0x210: {  	[sflag:s4] =	ssyncadd.s32 $0xFFFF9C00  }
0x211: {  	[tilespmem:s9], [sflag:$0x1] =	stream.indirect.gather [hbm4b:s3+s10], $0x80, s22, s10, $0xb8;
	[tilespmem:$0x1A900] =	vst v63  }
0x212: {  	_ =	swait.ge [sflag:s12], $0x6400  }
0x213: {  	[sflag:s12] =	ssyncset.done $0x0  }
0x214: {  	s14 =	rddreg [dreg:$0x19];
	[sflag:s12] =	ssyncadd.s32 $0xFFFF9C00  }
0x215: {  	[hbm4b:s14+s2] =	stream.linear.scatter [tilespmem:s7], [sflag:$0x5], $0x6400, $0x38;
	[tilespmem:$0x1A900] =	vst v63  }
0x216: {  	_ =	swait.ge [sflag:s4], $0x6400  }
0x217: {  	[sflag:s4] =	ssyncset.done $0x0  }
0x218: {  	[sflag:s4] =	ssyncadd.s32 $0xFFFF9C00  }
0x219: {  	[tilespmem:s7], [sflag:$0x2] =	stream.indirect.gather [hbm4b:s3+s10], $0x80, s21, s10, $0xb8;
	[tilespmem:$0x1A900] =	vst v63  }
0x21a: {  	_ =	swait.ge [sflag:s11], $0x6400  }
0x21b: {  	[sflag:s11] =	ssyncset.done $0x0  }
0x21c: {  	s14 =	rddreg [dreg:$0x1a];
	[sflag:s11] =	ssyncadd.s32 $0xFFFF9C00  }
0x21d: {  	[hbm4b:s14+s2] =	stream.linear.scatter [tilespmem:s6], [sflag:$0x5], $0x6400, $0x38;
	[tilespmem:$0x1A900] =	vst v63  }
0x21e: {  	_ =	swait.ge [sflag:s4], $0x6400  }
0x21f: {  	[sflag:s4] =	ssyncset.done $0x0  }
0x220: {  	[sflag:s4] =	ssyncadd.s32 $0xFFFF9C00  }
0x221: {  	[tilespmem:s6], [sflag:$0x3] =	stream.indirect.gather [hbm4b:s3+s10], $0x80, s20, s10, $0xb8;
	[tilespmem:$0x1A900] =	vst v63  }
0x222: {  	_ =	swait.ge [sflag:s8], $0x6400  }
0x223: {  	[sflag:s8] =	ssyncset.done $0x0  }
0x224: {  	s14 =	rddreg [dreg:$0x1b];
	[sflag:s8] =	ssyncadd.s32 $0xFFFF9C00  }
0x225: {  	[hbm4b:s14+s2] =	stream.linear.scatter [tilespmem:s5], [sflag:$0x5], $0x6400, $0x38;
	[tilespmem:$0x1A900] =	vst v63  }
0x226: {  	_ =	swait.ge [sflag:s4], $0x6400  }
0x227: {  	[sflag:s4] =	ssyncset.done $0x0  }
0x228: {  	[sflag:s4] =	ssyncadd.s32 $0xFFFF9C00  }
0x229: {  	[tilespmem:s5], [sflag:$0x4] =	stream.indirect.gather [hbm4b:s3+s10], $0x80, s19, s10, $0xb8;
	[tilespmem:$0x1A900] =	vst v63  }
0x22a: {  	_ =	swait.ge [sflag:s13], $0x6400  }
0x22b: {  	[sflag:s13] =	ssyncset.done $0x0  }
0x22c: {  	s14 =	rddreg [dreg:$0x1c];
	[sflag:s13] =	ssyncadd.s32 $0xFFFF9C00  }
0x22d: {  	[hbm4b:s14+s2] =	stream.linear.scatter [tilespmem:s9], [sflag:$0x5], $0x6400, $0x38;
	[tilespmem:$0x1A900] =	vst v63  }
0x22e: {  	_ =	swait.ge [sflag:s4], $0x6400  }
0x22f: {  	[sflag:s4] =	ssyncset.done $0x0  }
0x230: {  	[sflag:s4] =	ssyncadd.s32 $0xFFFF9C00  }
0x231: {  	[tilespmem:s9], [sflag:$0x1] =	stream.indirect.gather [hbm4b:s3+s10], $0x80, s18, s10, $0xb8;
	[tilespmem:$0x1A900] =	vst v63  }
0x232: {  	_ =	swait.ge [sflag:s12], $0x6400  }
0x233: {  	[sflag:s12] =	ssyncset.done $0x0  }
0x234: {  	s14 =	rddreg [dreg:$0x1d];
	[sflag:s12] =	ssyncadd.s32 $0xFFFF9C00  }
0x235: {  	[hbm4b:s14+s2] =	stream.linear.scatter [tilespmem:s7], [sflag:$0x5], $0x6400, $0x38;
	[tilespmem:$0x1A900] =	vst v63  }
0x236: {  	_ =	swait.ge [sflag:s4], $0x6400  }
0x237: {  	[sflag:s4] =	ssyncset.done $0x0  }
0x238: {  	[sflag:s4] =	ssyncadd.s32 $0xFFFF9C00  }
0x239: {  	[tilespmem:s7], [sflag:$0x2] =	stream.indirect.gather [hbm4b:s3+s10], $0x80, s17, s10, $0xb8;
	[tilespmem:$0x1A900] =	vst v63  }
0x23a: {  	_ =	swait.ge [sflag:s11], $0x6400  }
0x23b: {  	[sflag:s11] =	ssyncset.done $0x0  }
0x23c: {  	s14 =	rddreg [dreg:$0x1e];
	[sflag:s11] =	ssyncadd.s32 $0xFFFF9C00  }
0x23d: {  	[hbm4b:s14+s2] =	stream.linear.scatter [tilespmem:s6], [sflag:$0x5], $0x6400, $0x38;
	[tilespmem:$0x1A900] =	vst v63  }
0x23e: {  	_ =	swait.ge [sflag:s4], $0x6400  }
0x23f: {  	[sflag:s4] =	ssyncset.done $0x0  }
0x240: {  	[sflag:s4] =	ssyncadd.s32 $0xFFFF9C00  }
0x241: {  	[tilespmem:s6], [sflag:$0x3] =	stream.indirect.gather [hbm4b:s3+s10], $0x80, s16, s10, $0xb8;
	[tilespmem:$0x1A900] =	vst v63  }
0x242: {  	_ =	swait.ge [sflag:s8], $0x6400  }
0x243: {  	[sflag:s8] =	ssyncset.done $0x0  }
0x244: {  	s14 =	rddreg [dreg:$0x1f];
	[sflag:s8] =	ssyncadd.s32 $0xFFFF9C00  }
0x245: {  	[hbm4b:s14+s2] =	stream.linear.scatter [tilespmem:s5], [sflag:$0x5], $0x6400, $0x38;
	[tilespmem:$0x1A900] =	vst v63  }
0x246: {  	_ =	swait.ge [sflag:s4], $0x6400  }
0x247: {  	[sflag:s4] =	ssyncset.done $0x0  }
0x248: {  	[sflag:s4] =	ssyncadd.s32 $0xFFFF9C00  }
0x249: {  	[tilespmem:s5], [sflag:$0x4] =	stream.indirect.gather [hbm4b:s3+s10], $0x80, s15, s10, $0xb8;
	[tilespmem:$0x1A900] =	vst v63  }
0x24a: {  	_ =	swait.ge [sflag:s13], $0x6400  }
0x24b: {  	s14 =	sld [smem:$0x7EC]  }
0x24c: {  	[sflag:s13] =	ssyncset.done $0x0  }
0x24d: {  	[sflag:s13] =	ssyncadd.s32 $0xFFFF9C00  }
0x24e: {  	[hbm4b:s14+s2] =	stream.linear.scatter [tilespmem:s9], [sflag:$0x5], $0x6400, $0x38;
	[tilespmem:$0x1A900] =	vst v63  }
0x24f: {  	_ =	swait.ge [sflag:s4], $0x6400  }
0x250: {  	[sflag:s4] =	ssyncset.done $0x0  }
0x251: {  	[sflag:s4] =	ssyncadd.s32 $0xFFFF9C00  }
0x252: {  	_ =	swait.ge [sflag:s12], $0x6400  }
0x253: {  	s14 =	sld [smem:$0x7ED]  }
0x254: {  	[sflag:s12] =	ssyncset.done $0x0  }
0x255: {  	[sflag:s12] =	ssyncadd.s32 $0xFFFF9C00  }
0x256: {  	[hbm4b:s14+s2] =	stream.linear.scatter [tilespmem:s7], [sflag:$0x5], $0x6400, $0x38;
	[tilespmem:$0x1A900] =	vst v63  }
0x257: {  	_ =	swait.ge [sflag:s4], $0x6400  }
0x258: {  	[sflag:s4] =	ssyncset.done $0x0  }
0x259: {  	[sflag:s4] =	ssyncadd.s32 $0xFFFF9C00  }
0x25a: {  	_ =	swait.ge [sflag:s11], $0x6400  }
0x25b: {  	s14 =	sld [smem:$0x7EE]  }
0x25c: {  	[sflag:s11] =	ssyncset.done $0x0  }
0x25d: {  	[sflag:s11] =	ssyncadd.s32 $0xFFFF9C00  }
0x25e: {  	[hbm4b:s14+s2] =	stream.linear.scatter [tilespmem:s6], [sflag:$0x5], $0x6400, $0x38;
	[tilespmem:$0x1A900] =	vst v63  }
0x25f: {  	_ =	swait.ge [sflag:s4], $0x6400  }
0x260: {  	[sflag:s4] =	ssyncset.done $0x0  }
0x261: {  	[sflag:s4] =	ssyncadd.s32 $0xFFFF9C00  }
0x262: {  	_ =	swait.ge [sflag:s8], $0x6400  }
0x263: {  	p1 =	sne.s32 s1, $0x1;
	s14 =	sld [smem:$0x7EF]  }
.Ltmp2:
0x264: {  	[sflag:s8] =	ssyncset.done $0x0;
	(pc) =	sbr.rel @p1 .LBB2_4-.Ltmp2, $4  }
0x265: {  	[sflag:s8] =	ssyncadd.s32 $0xFFFF9C00  }
0x266: {  	[hbm4b:s14+s2] =	stream.linear.scatter [tilespmem:s5], [sflag:$0x5], $0x6400, $0x38;
	[tilespmem:$0x1A900] =	vst v63  }
0x267: {  	_ =	swait.ge [sflag:s4], $0x6400  }
0x268: {  	s1 =	sadd.s32 $0xFFFFFFFF, s1;
	s0 =	rddreg [dreg:$0x4];
	[sflag:s4] =	ssyncset.done $0x0  }
0x269: {  	s15 =	simm.s32 $0xC80  }
0x26a: {  	s30 =	simm.s32 $0xD48;
	s29 =	simm.s32 $0xE10;
	s28 =	simm.s32 $0xED8  }
0x26b: {  	s26 =	simm.s32 $0xFA0;
	s25 =	simm.s32 $0x1068;
	s24 =	simm.s32 $0x1130  }
0x26c: {  	s23 =	simm.s32 $0x11F8;
	s22 =	simm.s32 $0x12C0;
	s21 =	simm.s32 $0x1388  }
0x26d: {  	s20 =	simm.s32 $0x1450;
	s19 =	simm.s32 $0x1518;
	s18 =	simm.s32 $0x15E0  }
0x26e: {  	s17 =	simm.s32 $0x16A8;
	s16 =	simm.s32 $0x1770;
	s14 =	stileid.u32  }
.LBB2_6:
0x26f: {  	[sflag:s4] =	ssyncadd.s32 @p0 $0xFFFF9C00  }
0x270: {  	[tilespmem:s2], [sflag:$0x5] =	stream.linear.gather [hbm4b:s0+s2], $0x1900, $0x38;
	[tilespmem:$0x1A900] =	vst v63  }
0x271: {  	_ =	swait.ge [sflag:s4], $0x1900  }
0x272: {  	[sflag:s4] =	ssyncset.done $0x0  }
0x273: {  	[sflag:s4] =	ssyncadd.s32 $0xFFFFE700  }
0x274: {  	[tilespmem:s9], [sflag:$0x1] =	stream.indirect.gather [hbm4b:s3+s10], $0x80, s2, s10, $0xb8;
	[tilespmem:$0x1A900] =	vst v63  }
0x275: {  	s0 =	sld [smem:$0x7F0]  }
0x276: {  	[tilespmem:s7], [sflag:$0x2] =	stream.indirect.gather [hbm4b:s3+s10], $0x80, s10, s10, $0xb8;
	[tilespmem:$0x1A900] =	vst v63  }
0x277: {  	s1 =	sld [smem:$0x7F1]  }
0x278: {  	[tilespmem:s6], [sflag:$0x3] =	stream.indirect.gather [hbm4b:s3+s10], $0x80, s0, s10, $0xb8;
	[tilespmem:$0x1A900] =	vst v63  }
0x279: {  	_ = 	snop  }
0x27a: {  	[tilespmem:s5], [sflag:$0x4] =	stream.indirect.gather [hbm4b:s3+s10], $0x80, s1, s10, $0xb8;
	[tilespmem:$0x1A900] =	vst v63  }
0x27b: {  	_ =	swait.ge [sflag:s13], $0x6400  }
0x27c: {  	[sflag:s13] =	ssyncset.done $0x0  }
0x27d: {  	[sflag:s13] =	ssyncadd.s32 $0xFFFF9C00  }
0x27e: {  	[hbm4b:s31+s2] =	stream.linear.scatter [tilespmem:s9], [sflag:$0x5], $0x6400, $0x38;
	[tilespmem:$0x1A900] =	vst v63  }
0x27f: {  	_ =	swait.ge [sflag:s4], $0x6400  }
0x280: {  	s31 =	sld [smem:$0x7F2]  }
0x281: {  	[sflag:s4] =	ssyncset.done $0x0  }
0x282: {  	[sflag:s4] =	ssyncadd.s32 $0xFFFF9C00  }
0x283: {  	[tilespmem:s9], [sflag:$0x1] =	stream.indirect.gather [hbm4b:s3+s10], $0x80, s31, s10, $0xb8;
	[tilespmem:$0x1A900] =	vst v63  }
0x284: {  	_ =	swait.ge [sflag:s12], $0x6400  }
0x285: {  	[sflag:s12] =	ssyncset.done $0x0  }
0x286: {  	s1 =	rddreg [dreg:$0x5];
	[sflag:s12] =	ssyncadd.s32 $0xFFFF9C00  }
0x287: {  	[hbm4b:s1+s2] =	stream.linear.scatter [tilespmem:s7], [sflag:$0x5], $0x6400, $0x38;
	[tilespmem:$0x1A900] =	vst v63  }
0x288: {  	_ =	swait.ge [sflag:s4], $0x6400  }
0x289: {  	s31 =	sld [smem:$0x7F3]  }
0x28a: {  	[sflag:s4] =	ssyncset.done $0x0  }
0x28b: {  	[sflag:s4] =	ssyncadd.s32 $0xFFFF9C00  }
0x28c: {  	[tilespmem:s7], [sflag:$0x2] =	stream.indirect.gather [hbm4b:s3+s10], $0x80, s31, s10, $0xb8;
	[tilespmem:$0x1A900] =	vst v63  }
0x28d: {  	_ =	swait.ge [sflag:s11], $0x6400  }
0x28e: {  	[sflag:s11] =	ssyncset.done $0x0  }
0x28f: {  	s1 =	rddreg [dreg:$0x6];
	[sflag:s11] =	ssyncadd.s32 $0xFFFF9C00  }
0x290: {  	[hbm4b:s1+s2] =	stream.linear.scatter [tilespmem:s6], [sflag:$0x5], $0x6400, $0x38;
	[tilespmem:$0x1A900] =	vst v63  }
0x291: {  	_ =	swait.ge [sflag:s4], $0x6400  }
0x292: {  	s31 =	sld [smem:$0x7F4]  }
0x293: {  	[sflag:s4] =	ssyncset.done $0x0  }
0x294: {  	[sflag:s4] =	ssyncadd.s32 $0xFFFF9C00  }
0x295: {  	[tilespmem:s6], [sflag:$0x3] =	stream.indirect.gather [hbm4b:s3+s10], $0x80, s31, s10, $0xb8;
	[tilespmem:$0x1A900] =	vst v63  }
0x296: {  	_ =	swait.ge [sflag:s8], $0x6400  }
0x297: {  	[sflag:s8] =	ssyncset.done $0x0  }
0x298: {  	s1 =	rddreg [dreg:$0x7];
	[sflag:s8] =	ssyncadd.s32 $0xFFFF9C00  }
0x299: {  	[hbm4b:s1+s2] =	stream.linear.scatter [tilespmem:s5], [sflag:$0x5], $0x6400, $0x38;
	[tilespmem:$0x1A900] =	vst v63  }
0x29a: {  	_ =	swait.ge [sflag:s4], $0x6400  }
0x29b: {  	s31 =	sld [smem:$0x7F5]  }
0x29c: {  	[sflag:s4] =	ssyncset.done $0x0  }
0x29d: {  	[sflag:s4] =	ssyncadd.s32 $0xFFFF9C00  }
0x29e: {  	[tilespmem:s5], [sflag:$0x4] =	stream.indirect.gather [hbm4b:s3+s10], $0x80, s31, s10, $0xb8;
	[tilespmem:$0x1A900] =	vst v63  }
0x29f: {  	_ =	swait.ge [sflag:s13], $0x6400  }
0x2a0: {  	[sflag:s13] =	ssyncset.done $0x0  }
0x2a1: {  	s1 =	rddreg [dreg:$0x8];
	[sflag:s13] =	ssyncadd.s32 $0xFFFF9C00  }
0x2a2: {  	[hbm4b:s1+s2] =	stream.linear.scatter [tilespmem:s9], [sflag:$0x5], $0x6400, $0x38;
	[tilespmem:$0x1A900] =	vst v63  }
0x2a3: {  	_ =	swait.ge [sflag:s4], $0x6400  }
0x2a4: {  	s31 =	sld [smem:$0x7F6]  }
0x2a5: {  	[sflag:s4] =	ssyncset.done $0x0  }
0x2a6: {  	[sflag:s4] =	ssyncadd.s32 $0xFFFF9C00  }
0x2a7: {  	[tilespmem:s9], [sflag:$0x1] =	stream.indirect.gather [hbm4b:s3+s10], $0x80, s31, s10, $0xb8;
	[tilespmem:$0x1A900] =	vst v63  }
0x2a8: {  	_ =	swait.ge [sflag:s12], $0x6400  }
0x2a9: {  	[sflag:s12] =	ssyncset.done $0x0  }
0x2aa: {  	s1 =	rddreg [dreg:$0x9];
	[sflag:s12] =	ssyncadd.s32 $0xFFFF9C00  }
0x2ab: {  	[hbm4b:s1+s2] =	stream.linear.scatter [tilespmem:s7], [sflag:$0x5], $0x6400, $0x38;
	[tilespmem:$0x1A900] =	vst v63  }
0x2ac: {  	_ =	swait.ge [sflag:s4], $0x6400  }
0x2ad: {  	s31 =	sld [smem:$0x7F7]  }
0x2ae: {  	[sflag:s4] =	ssyncset.done $0x0  }
0x2af: {  	[sflag:s4] =	ssyncadd.s32 $0xFFFF9C00  }
0x2b0: {  	[tilespmem:s7], [sflag:$0x2] =	stream.indirect.gather [hbm4b:s3+s10], $0x80, s31, s10, $0xb8;
	[tilespmem:$0x1A900] =	vst v63  }
0x2b1: {  	_ =	swait.ge [sflag:s11], $0x6400  }
0x2b2: {  	[sflag:s11] =	ssyncset.done $0x0  }
0x2b3: {  	s1 =	rddreg [dreg:$0xa];
	[sflag:s11] =	ssyncadd.s32 $0xFFFF9C00  }
0x2b4: {  	[hbm4b:s1+s2] =	stream.linear.scatter [tilespmem:s6], [sflag:$0x5], $0x6400, $0x38;
	[tilespmem:$0x1A900] =	vst v63  }
0x2b5: {  	_ =	swait.ge [sflag:s4], $0x6400  }
0x2b6: {  	s31 =	sld [smem:$0x7F8]  }
0x2b7: {  	[sflag:s4] =	ssyncset.done $0x0  }
0x2b8: {  	[sflag:s4] =	ssyncadd.s32 $0xFFFF9C00  }
0x2b9: {  	[tilespmem:s6], [sflag:$0x3] =	stream.indirect.gather [hbm4b:s3+s10], $0x80, s31, s10, $0xb8;
	[tilespmem:$0x1A900] =	vst v63  }
0x2ba: {  	_ =	swait.ge [sflag:s8], $0x6400  }
0x2bb: {  	[sflag:s8] =	ssyncset.done $0x0  }
0x2bc: {  	s1 =	rddreg [dreg:$0xb];
	[sflag:s8] =	ssyncadd.s32 $0xFFFF9C00  }
0x2bd: {  	[hbm4b:s1+s2] =	stream.linear.scatter [tilespmem:s5], [sflag:$0x5], $0x6400, $0x38;
	[tilespmem:$0x1A900] =	vst v63  }
0x2be: {  	_ =	swait.ge [sflag:s4], $0x6400  }
0x2bf: {  	s31 =	sld [smem:$0x7F9]  }
0x2c0: {  	[sflag:s4] =	ssyncset.done $0x0  }
0x2c1: {  	[sflag:s4] =	ssyncadd.s32 $0xFFFF9C00  }
0x2c2: {  	[tilespmem:s5], [sflag:$0x4] =	stream.indirect.gather [hbm4b:s3+s10], $0x80, s31, s10, $0xb8;
	[tilespmem:$0x1A900] =	vst v63  }
0x2c3: {  	_ =	swait.ge [sflag:s13], $0x6400  }
0x2c4: {  	[sflag:s13] =	ssyncset.done $0x0  }
0x2c5: {  	s1 =	rddreg [dreg:$0xc];
	[sflag:s13] =	ssyncadd.s32 $0xFFFF9C00  }
0x2c6: {  	[hbm4b:s1+s2] =	stream.linear.scatter [tilespmem:s9], [sflag:$0x5], $0x6400, $0x38;
	[tilespmem:$0x1A900] =	vst v63  }
0x2c7: {  	_ =	swait.ge [sflag:s4], $0x6400  }
0x2c8: {  	s31 =	sld [smem:$0x7FA]  }
0x2c9: {  	[sflag:s4] =	ssyncset.done $0x0  }
0x2ca: {  	[sflag:s4] =	ssyncadd.s32 $0xFFFF9C00  }
0x2cb: {  	[tilespmem:s9], [sflag:$0x1] =	stream.indirect.gather [hbm4b:s3+s10], $0x80, s31, s10, $0xb8;
	[tilespmem:$0x1A900] =	vst v63  }
0x2cc: {  	_ =	swait.ge [sflag:s12], $0x6400  }
0x2cd: {  	[sflag:s12] =	ssyncset.done $0x0  }
0x2ce: {  	s1 =	rddreg [dreg:$0xd];
	[sflag:s12] =	ssyncadd.s32 $0xFFFF9C00  }
0x2cf: {  	[hbm4b:s1+s2] =	stream.linear.scatter [tilespmem:s7], [sflag:$0x5], $0x6400, $0x38;
	[tilespmem:$0x1A900] =	vst v63  }
0x2d0: {  	_ =	swait.ge [sflag:s4], $0x6400  }
0x2d1: {  	s31 =	sld [smem:$0x7FB]  }
0x2d2: {  	[sflag:s4] =	ssyncset.done $0x0  }
0x2d3: {  	[sflag:s4] =	ssyncadd.s32 $0xFFFF9C00  }
0x2d4: {  	[tilespmem:s7], [sflag:$0x2] =	stream.indirect.gather [hbm4b:s3+s10], $0x80, s31, s10, $0xb8;
	[tilespmem:$0x1A900] =	vst v63  }
0x2d5: {  	_ =	swait.ge [sflag:s11], $0x6400  }
0x2d6: {  	[sflag:s11] =	ssyncset.done $0x0  }
0x2d7: {  	s1 =	rddreg [dreg:$0xe];
	[sflag:s11] =	ssyncadd.s32 $0xFFFF9C00  }
0x2d8: {  	[hbm4b:s1+s2] =	stream.linear.scatter [tilespmem:s6], [sflag:$0x5], $0x6400, $0x38;
	[tilespmem:$0x1A900] =	vst v63  }
0x2d9: {  	_ =	swait.ge [sflag:s4], $0x6400  }
0x2da: {  	s31 =	sld [smem:$0x7FC]  }
0x2db: {  	[sflag:s4] =	ssyncset.done $0x0  }
0x2dc: {  	[sflag:s4] =	ssyncadd.s32 $0xFFFF9C00  }
0x2dd: {  	[tilespmem:s6], [sflag:$0x3] =	stream.indirect.gather [hbm4b:s3+s10], $0x80, s31, s10, $0xb8;
	[tilespmem:$0x1A900] =	vst v63  }
0x2de: {  	_ =	swait.ge [sflag:s8], $0x6400  }
0x2df: {  	[sflag:s8] =	ssyncset.done $0x0  }
0x2e0: {  	s1 =	rddreg [dreg:$0xf];
	[sflag:s8] =	ssyncadd.s32 $0xFFFF9C00  }
0x2e1: {  	[hbm4b:s1+s2] =	stream.linear.scatter [tilespmem:s5], [sflag:$0x5], $0x6400, $0x38;
	[tilespmem:$0x1A900] =	vst v63  }
0x2e2: {  	_ =	swait.ge [sflag:s4], $0x6400  }
0x2e3: {  	s31 =	sld [smem:$0x7FD]  }
0x2e4: {  	[sflag:s4] =	ssyncset.done $0x0  }
0x2e5: {  	[sflag:s4] =	ssyncadd.s32 $0xFFFF9C00  }
0x2e6: {  	[tilespmem:s5], [sflag:$0x4] =	stream.indirect.gather [hbm4b:s3+s10], $0x80, s31, s10, $0xb8;
	[tilespmem:$0x1A900] =	vst v63  }
0x2e7: {  	_ =	swait.ge [sflag:s13], $0x6400  }
0x2e8: {  	[sflag:s13] =	ssyncset.done $0x0  }
0x2e9: {  	s1 =	rddreg [dreg:$0x10];
	[sflag:s13] =	ssyncadd.s32 $0xFFFF9C00  }
0x2ea: {  	[hbm4b:s1+s2] =	stream.linear.scatter [tilespmem:s9], [sflag:$0x5], $0x6400, $0x38;
	[tilespmem:$0x1A900] =	vst v63  }
0x2eb: {  	_ =	swait.ge [sflag:s4], $0x6400  }
0x2ec: {  	[sflag:s4] =	ssyncset.done $0x0  }
0x2ed: {  	[sflag:s4] =	ssyncadd.s32 $0xFFFF9C00  }
0x2ee: {  	[tilespmem:s9], [sflag:$0x1] =	stream.indirect.gather [hbm4b:s3+s10], $0x80, s15, s10, $0xb8;
	[tilespmem:$0x1A900] =	vst v63  }
0x2ef: {  	_ =	swait.ge [sflag:s12], $0x6400  }
0x2f0: {  	[sflag:s12] =	ssyncset.done $0x0  }
0x2f1: {  	s15 =	rddreg [dreg:$0x11];
	[sflag:s12] =	ssyncadd.s32 $0xFFFF9C00  }
0x2f2: {  	[hbm4b:s15+s2] =	stream.linear.scatter [tilespmem:s7], [sflag:$0x5], $0x6400, $0x38;
	[tilespmem:$0x1A900] =	vst v63  }
0x2f3: {  	_ =	swait.ge [sflag:s4], $0x6400  }
0x2f4: {  	[sflag:s4] =	ssyncset.done $0x0  }
0x2f5: {  	[sflag:s4] =	ssyncadd.s32 $0xFFFF9C00  }
0x2f6: {  	[tilespmem:s7], [sflag:$0x2] =	stream.indirect.gather [hbm4b:s3+s10], $0x80, s30, s10, $0xb8;
	[tilespmem:$0x1A900] =	vst v63  }
0x2f7: {  	_ =	swait.ge [sflag:s11], $0x6400  }
0x2f8: {  	[sflag:s11] =	ssyncset.done $0x0  }
0x2f9: {  	s31 =	rddreg [dreg:$0x12];
	[sflag:s11] =	ssyncadd.s32 $0xFFFF9C00  }
0x2fa: {  	[hbm4b:s31+s2] =	stream.linear.scatter [tilespmem:s6], [sflag:$0x5], $0x6400, $0x38;
	[tilespmem:$0x1A900] =	vst v63  }
0x2fb: {  	_ =	swait.ge [sflag:s4], $0x6400  }
0x2fc: {  	[sflag:s4] =	ssyncset.done $0x0  }
0x2fd: {  	[sflag:s4] =	ssyncadd.s32 $0xFFFF9C00  }
0x2fe: {  	[tilespmem:s6], [sflag:$0x3] =	stream.indirect.gather [hbm4b:s3+s10], $0x80, s29, s10, $0xb8;
	[tilespmem:$0x1A900] =	vst v63  }
0x2ff: {  	_ =	swait.ge [sflag:s8], $0x6400  }
0x300: {  	[sflag:s8] =	ssyncset.done $0x0  }
0x301: {  	s1 =	rddreg [dreg:$0x13];
	[sflag:s8] =	ssyncadd.s32 $0xFFFF9C00  }
0x302: {  	[hbm4b:s1+s2] =	stream.linear.scatter [tilespmem:s5], [sflag:$0x5], $0x6400, $0x38;
	[tilespmem:$0x1A900] =	vst v63  }
0x303: {  	_ =	swait.ge [sflag:s4], $0x6400  }
0x304: {  	[sflag:s4] =	ssyncset.done $0x0  }
0x305: {  	[sflag:s4] =	ssyncadd.s32 $0xFFFF9C00  }
0x306: {  	[tilespmem:s5], [sflag:$0x4] =	stream.indirect.gather [hbm4b:s3+s10], $0x80, s28, s10, $0xb8;
	[tilespmem:$0x1A900] =	vst v63  }
0x307: {  	_ =	swait.ge [sflag:s13], $0x6400  }
0x308: {  	[sflag:s13] =	ssyncset.done $0x0  }
0x309: {  	s15 =	rddreg [dreg:$0x14];
	[sflag:s13] =	ssyncadd.s32 $0xFFFF9C00  }
0x30a: {  	[hbm4b:s15+s2] =	stream.linear.scatter [tilespmem:s9], [sflag:$0x5], $0x6400, $0x38;
	[tilespmem:$0x1A900] =	vst v63  }
0x30b: {  	_ =	swait.ge [sflag:s4], $0x6400  }
0x30c: {  	[sflag:s4] =	ssyncset.done $0x0  }
0x30d: {  	[sflag:s4] =	ssyncadd.s32 $0xFFFF9C00  }
0x30e: {  	[tilespmem:s9], [sflag:$0x1] =	stream.indirect.gather [hbm4b:s3+s10], $0x80, s26, s10, $0xb8;
	[tilespmem:$0x1A900] =	vst v63  }
0x30f: {  	_ =	swait.ge [sflag:s12], $0x6400  }
0x310: {  	[sflag:s12] =	ssyncset.done $0x0  }
0x311: {  	s28 =	rddreg [dreg:$0x15];
	[sflag:s12] =	ssyncadd.s32 $0xFFFF9C00  }
0x312: {  	[hbm4b:s28+s2] =	stream.linear.scatter [tilespmem:s7], [sflag:$0x5], $0x6400, $0x38;
	[tilespmem:$0x1A900] =	vst v63  }
0x313: {  	_ =	swait.ge [sflag:s4], $0x6400  }
0x314: {  	[sflag:s4] =	ssyncset.done $0x0  }
0x315: {  	[sflag:s4] =	ssyncadd.s32 $0xFFFF9C00  }
0x316: {  	[tilespmem:s7], [sflag:$0x2] =	stream.indirect.gather [hbm4b:s3+s10], $0x80, s25, s10, $0xb8;
	[tilespmem:$0x1A900] =	vst v63  }
0x317: {  	_ =	swait.ge [sflag:s11], $0x6400  }
0x318: {  	[sflag:s11] =	ssyncset.done $0x0  }
0x319: {  	s29 =	rddreg [dreg:$0x16];
	[sflag:s11] =	ssyncadd.s32 $0xFFFF9C00  }
0x31a: {  	[hbm4b:s29+s2] =	stream.linear.scatter [tilespmem:s6], [sflag:$0x5], $0x6400, $0x38;
	[tilespmem:$0x1A900] =	vst v63  }
0x31b: {  	_ =	swait.ge [sflag:s4], $0x6400  }
0x31c: {  	[sflag:s4] =	ssyncset.done $0x0  }
0x31d: {  	[sflag:s4] =	ssyncadd.s32 $0xFFFF9C00  }
0x31e: {  	[tilespmem:s6], [sflag:$0x3] =	stream.indirect.gather [hbm4b:s3+s10], $0x80, s24, s10, $0xb8;
	[tilespmem:$0x1A900] =	vst v63  }
0x31f: {  	_ =	swait.ge [sflag:s8], $0x6400  }
0x320: {  	[sflag:s8] =	ssyncset.done $0x0  }
0x321: {  	s30 =	rddreg [dreg:$0x17];
	[sflag:s8] =	ssyncadd.s32 $0xFFFF9C00  }
0x322: {  	[hbm4b:s30+s2] =	stream.linear.scatter [tilespmem:s5], [sflag:$0x5], $0x6400, $0x38;
	[tilespmem:$0x1A900] =	vst v63  }
0x323: {  	_ =	swait.ge [sflag:s4], $0x6400  }
0x324: {  	[sflag:s4] =	ssyncset.done $0x0  }
0x325: {  	[sflag:s4] =	ssyncadd.s32 $0xFFFF9C00  }
0x326: {  	[tilespmem:s5], [sflag:$0x4] =	stream.indirect.gather [hbm4b:s3+s10], $0x80, s23, s10, $0xb8;
	[tilespmem:$0x1A900] =	vst v63  }
0x327: {  	_ =	swait.ge [sflag:s13], $0x6400  }
0x328: {  	[sflag:s13] =	ssyncset.done $0x0  }
0x329: {  	s31 =	rddreg [dreg:$0x18];
	[sflag:s13] =	ssyncadd.s32 $0xFFFF9C00  }
0x32a: {  	[hbm4b:s31+s2] =	stream.linear.scatter [tilespmem:s9], [sflag:$0x5], $0x6400, $0x38;
	[tilespmem:$0x1A900] =	vst v63  }
0x32b: {  	_ =	swait.ge [sflag:s4], $0x6400  }
0x32c: {  	[sflag:s4] =	ssyncset.done $0x0  }
0x32d: {  	[sflag:s4] =	ssyncadd.s32 $0xFFFF9C00  }
0x32e: {  	[tilespmem:s9], [sflag:$0x1] =	stream.indirect.gather [hbm4b:s3+s10], $0x80, s22, s10, $0xb8;
	[tilespmem:$0x1A900] =	vst v63  }
0x32f: {  	_ =	swait.ge [sflag:s12], $0x6400  }
0x330: {  	[sflag:s12] =	ssyncset.done $0x0  }
0x331: {  	s1 =	rddreg [dreg:$0x19];
	[sflag:s12] =	ssyncadd.s32 $0xFFFF9C00  }
0x332: {  	[hbm4b:s1+s2] =	stream.linear.scatter [tilespmem:s7], [sflag:$0x5], $0x6400, $0x38;
	[tilespmem:$0x1A900] =	vst v63  }
0x333: {  	_ =	swait.ge [sflag:s4], $0x6400  }
0x334: {  	[sflag:s4] =	ssyncset.done $0x0  }
0x335: {  	[sflag:s4] =	ssyncadd.s32 $0xFFFF9C00  }
0x336: {  	[tilespmem:s7], [sflag:$0x2] =	stream.indirect.gather [hbm4b:s3+s10], $0x80, s21, s10, $0xb8;
	[tilespmem:$0x1A900] =	vst v63  }
0x337: {  	_ =	swait.ge [sflag:s11], $0x6400  }
0x338: {  	[sflag:s11] =	ssyncset.done $0x0  }
0x339: {  	s15 =	rddreg [dreg:$0x1a];
	[sflag:s11] =	ssyncadd.s32 $0xFFFF9C00  }
0x33a: {  	[hbm4b:s15+s2] =	stream.linear.scatter [tilespmem:s6], [sflag:$0x5], $0x6400, $0x38;
	[tilespmem:$0x1A900] =	vst v63  }
0x33b: {  	_ =	swait.ge [sflag:s4], $0x6400  }
0x33c: {  	[sflag:s4] =	ssyncset.done $0x0  }
0x33d: {  	[sflag:s4] =	ssyncadd.s32 $0xFFFF9C00  }
0x33e: {  	[tilespmem:s6], [sflag:$0x3] =	stream.indirect.gather [hbm4b:s3+s10], $0x80, s20, s10, $0xb8;
	[tilespmem:$0x1A900] =	vst v63  }
0x33f: {  	_ =	swait.ge [sflag:s8], $0x6400  }
0x340: {  	[sflag:s8] =	ssyncset.done $0x0  }
0x341: {  	s21 =	rddreg [dreg:$0x1b];
	[sflag:s8] =	ssyncadd.s32 $0xFFFF9C00  }
0x342: {  	[hbm4b:s21+s2] =	stream.linear.scatter [tilespmem:s5], [sflag:$0x5], $0x6400, $0x38;
	[tilespmem:$0x1A900] =	vst v63  }
0x343: {  	_ =	swait.ge [sflag:s4], $0x6400  }
0x344: {  	[sflag:s4] =	ssyncset.done $0x0  }
0x345: {  	[sflag:s4] =	ssyncadd.s32 $0xFFFF9C00  }
0x346: {  	[tilespmem:s5], [sflag:$0x4] =	stream.indirect.gather [hbm4b:s3+s10], $0x80, s19, s10, $0xb8;
	[tilespmem:$0x1A900] =	vst v63  }
0x347: {  	_ =	swait.ge [sflag:s13], $0x6400  }
0x348: {  	[sflag:s13] =	ssyncset.done $0x0  }
0x349: {  	s22 =	rddreg [dreg:$0x1c];
	[sflag:s13] =	ssyncadd.s32 $0xFFFF9C00  }
0x34a: {  	[hbm4b:s22+s2] =	stream.linear.scatter [tilespmem:s9], [sflag:$0x5], $0x6400, $0x38;
	[tilespmem:$0x1A900] =	vst v63  }
0x34b: {  	_ =	swait.ge [sflag:s4], $0x6400  }
0x34c: {  	[sflag:s4] =	ssyncset.done $0x0  }
0x34d: {  	[sflag:s4] =	ssyncadd.s32 $0xFFFF9C00  }
0x34e: {  	[tilespmem:s9], [sflag:$0x1] =	stream.indirect.gather [hbm4b:s3+s10], $0x80, s18, s10, $0xb8;
	[tilespmem:$0x1A900] =	vst v63  }
0x34f: {  	_ =	swait.ge [sflag:s12], $0x6400  }
0x350: {  	[sflag:s12] =	ssyncset.done $0x0  }
0x351: {  	s23 =	rddreg [dreg:$0x1d];
	[sflag:s12] =	ssyncadd.s32 $0xFFFF9C00  }
0x352: {  	[hbm4b:s23+s2] =	stream.linear.scatter [tilespmem:s7], [sflag:$0x5], $0x6400, $0x38;
	[tilespmem:$0x1A900] =	vst v63  }
0x353: {  	_ =	swait.ge [sflag:s4], $0x6400  }
0x354: {  	[sflag:s4] =	ssyncset.done $0x0  }
0x355: {  	[sflag:s4] =	ssyncadd.s32 $0xFFFF9C00  }
0x356: {  	[tilespmem:s7], [sflag:$0x2] =	stream.indirect.gather [hbm4b:s3+s10], $0x80, s17, s10, $0xb8;
	[tilespmem:$0x1A900] =	vst v63  }
0x357: {  	_ =	swait.ge [sflag:s11], $0x6400  }
0x358: {  	[sflag:s11] =	ssyncset.done $0x0  }
0x359: {  	s24 =	rddreg [dreg:$0x1e];
	[sflag:s11] =	ssyncadd.s32 $0xFFFF9C00  }
0x35a: {  	[hbm4b:s24+s2] =	stream.linear.scatter [tilespmem:s6], [sflag:$0x5], $0x6400, $0x38;
	[tilespmem:$0x1A900] =	vst v63  }
0x35b: {  	_ =	swait.ge [sflag:s4], $0x6400  }
0x35c: {  	[sflag:s4] =	ssyncset.done $0x0  }
0x35d: {  	[sflag:s4] =	ssyncadd.s32 $0xFFFF9C00  }
0x35e: {  	[tilespmem:s6], [sflag:$0x3] =	stream.indirect.gather [hbm4b:s3+s10], $0x80, s16, s10, $0xb8;
	[tilespmem:$0x1A900] =	vst v63  }
0x35f: {  	_ =	swait.ge [sflag:s8], $0x6400  }
0x360: {  	[sflag:s8] =	ssyncset.done $0x0  }
0x361: {  	s25 =	rddreg [dreg:$0x1f];
	[sflag:s8] =	ssyncadd.s32 $0xFFFF9C00  }
0x362: {  	[hbm4b:s25+s2] =	stream.linear.scatter [tilespmem:s5], [sflag:$0x5], $0x6400, $0x38;
	[tilespmem:$0x1A900] =	vst v63  }
0x363: {  	_ =	swait.ge [sflag:s4], $0x6400  }
0x364: {  	[sflag:s4] =	ssyncset.done $0x0  }
0x365: {  	s26 =	simm.s32 $0x1838;
	[sflag:s4] =	ssyncadd.s32 $0xFFFF9C00  }
0x366: {  	[tilespmem:s5], [sflag:$0x4] =	stream.indirect.gather [hbm4b:s3+s10], $0x80, s26, s10, $0xb8;
	[tilespmem:$0x1A900] =	vst v63  }
0x367: {  	_ =	swait.ge [sflag:s13], $0x6400  }
0x368: {  	s28 =	sld [smem:$0x7EC]  }
0x369: {  	[sflag:s13] =	ssyncset.done $0x0  }
0x36a: {  	[sflag:s13] =	ssyncadd.s32 $0xFFFF9C00  }
0x36b: {  	[hbm4b:s28+s2] =	stream.linear.scatter [tilespmem:s9], [sflag:$0x5], $0x6400, $0x38;
	[tilespmem:$0x1A900] =	vst v63  }
0x36c: {  	_ =	swait.ge [sflag:s4], $0x6400  }
0x36d: {  	[sflag:s4] =	ssyncset.done $0x0  }
0x36e: {  	[sflag:s4] =	ssyncadd.s32 $0xFFFF9C00  }
0x36f: {  	_ =	swait.ge [sflag:s12], $0x6400  }
0x370: {  	s29 =	sld [smem:$0x7ED]  }
0x371: {  	[sflag:s12] =	ssyncset.done $0x0  }
0x372: {  	[sflag:s12] =	ssyncadd.s32 $0xFFFF9C00  }
0x373: {  	[hbm4b:s29+s2] =	stream.linear.scatter [tilespmem:s7], [sflag:$0x5], $0x6400, $0x38;
	[tilespmem:$0x1A900] =	vst v63  }
0x374: {  	_ =	swait.ge [sflag:s4], $0x6400  }
0x375: {  	[sflag:s4] =	ssyncset.done $0x0  }
0x376: {  	[sflag:s4] =	ssyncadd.s32 $0xFFFF9C00  }
0x377: {  	_ =	swait.ge [sflag:s11], $0x6400  }
0x378: {  	s30 =	sld [smem:$0x7EE]  }
0x379: {  	[sflag:s11] =	ssyncset.done $0x0  }
0x37a: {  	[sflag:s11] =	ssyncadd.s32 $0xFFFF9C00  }
0x37b: {  	[hbm4b:s30+s2] =	stream.linear.scatter [tilespmem:s6], [sflag:$0x5], $0x6400, $0x38;
	[tilespmem:$0x1A900] =	vst v63  }
0x37c: {  	_ =	swait.ge [sflag:s4], $0x6400  }
0x37d: {  	[sflag:s4] =	ssyncset.done $0x0  }
0x37e: {  	[sflag:s4] =	ssyncadd.s32 $0xFFFF9C00  }
0x37f: {  	_ =	swait.ge [sflag:s8], $0x6400  }
0x380: {  	s31 =	sld [smem:$0x7EF]  }
0x381: {  	[sflag:s8] =	ssyncset.done $0x0  }
0x382: {  	[sflag:s8] =	ssyncadd.s32 $0xFFFF9C00  }
0x383: {  	[hbm4b:s31+s2] =	stream.linear.scatter [tilespmem:s5], [sflag:$0x5], $0x6400, $0x38;
	[tilespmem:$0x1A900] =	vst v63  }
0x384: {  	_ =	swait.ge [sflag:s4], $0x6400  }
0x385: {  	[sflag:s4] =	ssyncset.done $0x0  }
0x386: {  	[sflag:s4] =	ssyncadd.s32 $0xFFFF9C00  }
0x387: {  	_ =	sfence.sel $0x180000  }
0x388: {  	[bflag:$0x0] =	sbarrier.arrive $0xFFFF  }
0x389: {  	_ =	strace $0x90000047  }
0x38a: {  	[bflag:$0x2] =	sbarrier.arrive $0xFFFF  }
0x38b: {  	p0 =	sne.s32 s14, $0x0;
	s0 =	rddreg [dreg:$0x3]  }
0x38c: {  	s0 =	sadd.s32 @!p0 $0x100000, s0  }
0x38d: {  	[sflag:s0] =	ssyncadd.tile.s32 @!p0 $0x1;
	_ =	shalt  }
.LBB2_1:
0x38e: {  	s15 =	simm.s32 $0xC80  }
.Ltmp3:
0x38f: {  	s30 =	simm.s32 $0xD48;
	s29 =	simm.s32 $0xE10;
	(pc) =	sbr.rel .LBB2_6-.Ltmp3, $4  }
0x390: {  	s28 =	simm.s32 $0xED8;
	s26 =	simm.s32 $0xFA0;
	s25 =	simm.s32 $0x1068  }
0x391: {  	s24 =	simm.s32 $0x1130;
	s23 =	simm.s32 $0x11F8;
	s22 =	simm.s32 $0x12C0  }
0x392: {  	s21 =	simm.s32 $0x1388;
	s20 =	simm.s32 $0x1450;
	s19 =	simm.s32 $0x1518  }
0x393: {  	s18 =	simm.s32 $0x15E0;
	s17 =	simm.s32 $0x16A8;
	s16 =	simm.s32 $0x1770  }
.LBB2_3:
0x394: {  	s15 =	simm.s32 $0xC80;
	s30 =	simm.s32 $0xD48  }
.Ltmp4:
0x395: {  	s29 =	simm.s32 $0xE10;
	s28 =	simm.s32 $0xED8;
	(pc) =	sbr.rel .LBB2_6-.Ltmp4, $4  }
0x396: {  	s26 =	simm.s32 $0xFA0;
	s25 =	simm.s32 $0x1068;
	s24 =	simm.s32 $0x1130  }
0x397: {  	s23 =	simm.s32 $0x11F8;
	s22 =	simm.s32 $0x12C0;
	s21 =	simm.s32 $0x1388  }
0x398: {  	s20 =	simm.s32 $0x1450;
	s19 =	simm.s32 $0x1518;
	s18 =	simm.s32 $0x15E0  }
0x399: {  	s17 =	simm.s32 $0x16A8;
	s16 =	simm.s32 $0x1770;
	s14 =	stileid.u32  }
.Lfunc_end2:
_tile_overlayer_lowered:
.L_overlay_start_2:
0x39a: {  	(tag) =	ssettag $0x2  }
0x39b: {  	s0 =	rddreg [dreg:$0x0];
	s2 =	stileid.u32  }
0x39c: {  	s1 =	rddreg [dreg:$0x1];
	p0 =	sne.s32 s2, $0x0  }
0x39d: {  	s3 =	rddreg [dreg:$0x2];
	[bflag:$0x3] =	sbarrier.arrive $0xFFFF;
	s2 =	simm.s32 @!p0 $0x1C05  }
0x39e: {  	[timem:s3], [sflag:s2] =	dma.local @!p0 [hbm:s0], s1  }
0x39f: {  	s0 =	simm.s32 @!p0 $0x5  }
0x3a0: {  	_ =	swait.ge @!p0 [sflag:s0], s1  }
0x3a1: {  	s1 =	ssub.s32 @!p0 $0x0, s1;
	[sflag:s0] =	ssyncset.done @!p0 $0x0  }
0x3a2: {  	[sflag:s0] =	ssyncadd.s32 @!p0 s1  }
0x3a3: {  	[bflag:$0x3] =	sbarrier.arrive $0xFFFF  }
0x3a4: {  	_ =	shalt  }

</sc_bundles>
